<compile_context>
chip_gen: v7x
topology: tpu7x:2x2x1
jax: 0.10.2.dev20260603
libtpu: 0.0.44.dev20260713+nightly
codegen_flags: <defaults>
</compile_context>

<pallas_src>
import math

import jax
import jax.numpy as jnp
from jax import lax
from jax.experimental import pallas as pl
from jax.experimental.pallas import tpu as pltpu
from jax.experimental.pallas import tpu_sc as plsc

H = 16
NB = 32
MAXD = 128
K = 2048
Q = 2048
W = 4480
WL = 3072
NP = 4

NSHIFT = 8
SLAB0 = 1920
SLABW = 384


def _table_kernel(w_ref, u8_ref):
    r = pl.program_id(0)
    i_full = lax.broadcasted_iota(jnp.int32, (H, W), 1)
    u8_ref[0] = jnp.where(
        i_full < 2040 + r, w_ref[:, 31:32], w_ref[:, 15:16]
    )

    i = lax.broadcasted_iota(jnp.int32, (H, SLABW), 1) + SLAB0
    n = i - (2040 + r)
    half = NB // 2
    ret = jnp.where(n < 0, half, 0)
    na = jnp.abs(n)
    max_exact = half // 2
    is_small = na < max_exact
    n_safe = jnp.maximum(na, 1)
    val = max_exact + (
        jnp.log(n_safe.astype(jnp.float32) / max_exact)
        / math.log(MAXD / max_exact)
        * (half - max_exact)
    ).astype(jnp.int32)
    val = jnp.minimum(val, half - 1)
    bucket = ret + jnp.where(is_small, na, val)
    acc = jnp.zeros((H, SLABW), jnp.float32)
    for b in range(NB):
        acc = acc + jnp.where(bucket == b, w_ref[:, b : b + 1], 0.0)
    u8_ref[0, :, SLAB0 : SLAB0 + SLABW] = acc


KT = K // 8
QT = Q // 128
KT_PER = KT // 2


def _sc_body(u8_hbm, out_hbm, tbl, sem_in, sem_out):
    c = lax.axis_index("c")
    s = lax.axis_index("s")
    wid = s * 2 + c
    h = wid // 2
    kt0 = (wid % 2) * KT_PER
    wl = 1024 - 8 * kt0

    loads = [
        pltpu.async_copy(
            u8_hbm.at[:, h, pl.ds(wl + 128 * p, WL)], tbl.at[p], sem_in
        )
        for p in range(NP)
    ]
    for d in loads:
        d.wait()

    def kt_body(j, carry):
        kt = kt0 + j
        i0 = 1016 - 8 * j

        def q_body(q4, carry2):
            pltpu.async_copy(
                tbl.at[:, :, pl.ds(i0 + 512 * q4, 128)],
                out_hbm.at[h, kt, pl.ds(NP * q4, NP)],
                sem_out,
            )
            return carry2

        return lax.fori_loop(0, QT // NP, q_body, carry)

    lax.fori_loop(0, KT_PER, kt_body, 0)

    def drain(idx, carry):
        pltpu.make_async_copy(
            out_hbm.at[0, 0, pl.ds(0, NP)],
            tbl.at[:, :, pl.ds(0, 128)],
            sem_out,
        ).wait()
        return carry

    lax.fori_loop(0, KT_PER * (QT // NP), drain, 0)


def kernel(key_len, query_len, weight):
    del key_len, query_len
    u8 = pl.pallas_call(
        _table_kernel,
        grid=(NSHIFT,),
        in_specs=[pl.BlockSpec((H, NB), lambda r: (0, 0))],
        out_specs=pl.BlockSpec((1, H, W), lambda r: (r, 0, 0)),
        out_shape=jax.ShapeDtypeStruct((NSHIFT, H, W), jnp.float32),
    )(weight)

    mesh = plsc.VectorSubcoreMesh(core_axis_name="c", subcore_axis_name="s")
    out5 = pl.kernel(
        _sc_body,
        out_type=jax.ShapeDtypeStruct((H, KT, QT, 8, 128), jnp.float32),
        mesh=mesh,
        scratch_types=[
            pltpu.VMEM((NP, NSHIFT, WL), jnp.float32),
            pltpu.SemaphoreType.DMA,
            pltpu.SemaphoreType.DMA,
        ],
        compiler_params=pltpu.CompilerParams(use_tc_tiling_on_sc=False),
    )(u8)
    return jnp.transpose(out5, (0, 1, 3, 2, 4)).reshape(H, K, Q)

# --- scband reference (transcript-rebuilt; emitter-appended) ---
"""Pipeline reference for scband-position-embedding-84318797955295 (READ-ONLY COPY).

The authoritative reference and input builder live on the scoring server;
editing this copy changes nothing except your own understanding.
"""

import jax, jax.numpy as jnp
import numpy as np
import math

NUM_HEADS = 16
NUM_BUCKETS = 32
MAX_DISTANCE = 128
BIDIRECTIONAL = True
KEY_LEN = 2048
QUERY_LEN = 2048


def _relative_position_bucket(relative_position, bidirectional, num_buckets, max_distance):
    # T5-style relative position bucketing (faithful to the CUDA kernel's mapping).
    n = -relative_position
    ret = jnp.zeros_like(n)
    if bidirectional:
        num_buckets = num_buckets // 2
        ret = ret + (n < 0).astype(jnp.int32) * num_buckets
        n = jnp.abs(n)
    else:
        n = jnp.maximum(n, 0)
    max_exact = num_buckets // 2
    is_small = n < max_exact
    n_safe = jnp.maximum(n, 1)
    val_if_large = max_exact + (
        jnp.log(n_safe.astype(jnp.float32) / max_exact)
        / math.log(max_distance / max_exact)
        * (num_buckets - max_exact)
    ).astype(jnp.int32)
    val_if_large = jnp.minimum(val_if_large, num_buckets - 1)
    ret = ret + jnp.where(is_small, n, val_if_large)
    return ret


def setup_inputs(seed: int = 0) -> dict:
    key = jax.random.key(seed)
    weight = jax.random.normal(key, (NUM_HEADS, NUM_BUCKETS), dtype=jnp.float32)
    return {"key_len": 2048, "query_len": 2048, "weight": weight}


def reference(key_len, query_len, weight):
    # out[h, k, q] = weight[h, bucket(k - q)]
    key_len = jnp.asarray(key_len, dtype=jnp.int32)
    query_len = jnp.asarray(query_len, dtype=jnp.int32)
    k_pos = (jnp.arange(KEY_LEN, dtype=jnp.int32) + key_len * 0)[:, None]      # [K, 1]
    q_pos = (jnp.arange(QUERY_LEN, dtype=jnp.int32) + query_len * 0)[None, :]    # [1, Q]
    relative_position = k_pos - q_pos                            # [K, Q] (memory - context)
    bucket = _relative_position_bucket(
        relative_position, BIDIRECTIONAL, NUM_BUCKETS, MAX_DISTANCE
    )  # [K, Q] int32 in [0, NUM_BUCKETS)
    # gather: [H, num_buckets] -> [H, K, Q]
    out = jnp.take(weight, bucket, axis=1)
    return out

if __name__ == "__main__":
    import jax
    _d = setup_inputs()
    print(jax.jit(kernel)(*tuple(_d.values())))

</pallas_src>

<mosaic_0001>
#map = affine_map<(d0, d1) -> (0, 0, 0)>
#map1 = affine_map<(d0, d1) -> (0, 0, 0, 0, 0)>
module attributes {stable_mosaic.version = 14 : i64} {
  func.func @_sc_body(%arg0: i32, %arg1: i32, %arg2: memref<8x16x4480xf32, #tpu.memory_space<hbm>>, %arg3: memref<16x256x16x8x128xf32, #tpu.memory_space<hbm>>, %arg4: memref<4x8x3072xf32, #tpu.memory_space<vmem>>, %arg5: memref<!tpu.dma_semaphore, #tpu.memory_space<semaphore_mem>>, %arg6: memref<!tpu.dma_semaphore, #tpu.memory_space<semaphore_mem>>) attributes {dimension_semantics = [#tpu.dimension_semantics<core_parallel>, #tpu.dimension_semantics<subcore_parallel>], iteration_bounds = array<i64: 2, 16>, scalar_prefetch = 0 : i64, scratch_operands = 3 : i64, tpu.core_type = #tpu.core_type<sc_vector_subcore>, window_params = [{transform_indices = #map}, {transform_indices = #map1}]} {
    %mul3A = arith.constant 2 : i32
    %mul3A_0 = arith.muli %arg1, %mul3A : i32
    %add3A = arith.addi %mul3A_0, %arg0 : i32
    %jit3A = arith.constant 2 : i32
    %div3A = arith.divsi %add3A, %jit3A : i32
    %sign3A = arith.constant 0 : i32
    %sign3A_1 = arith.cmpi sgt, %add3A, %sign3A : i32
    %sign3A_2 = arith.extui %sign3A_1 : i1 to i32
    %sign3A_3 = arith.constant 0 : i32
    %sign3A_4 = arith.cmpi slt, %add3A, %sign3A_3 : i32
    %sign3A_5 = arith.extui %sign3A_4 : i1 to i32
    %sign3A_6 = arith.subi %sign3A_2, %sign3A_5 : i32
    %sign3A_7 = arith.constant 0 : i32
    %sign3A_8 = arith.cmpi sgt, %jit3A, %sign3A_7 : i32
    %sign3A_9 = arith.extui %sign3A_8 : i1 to i32
    %sign3A_10 = arith.constant 0 : i32
    %sign3A_11 = arith.cmpi slt, %jit3A, %sign3A_10 : i32
    %sign3A_12 = arith.extui %sign3A_11 : i1 to i32
    %sign3A_13 = arith.subi %sign3A_9, %sign3A_12 : i32
    %ne3A = arith.cmpi ne, %sign3A_6, %sign3A_13 : i32
    %rem3A = arith.remsi %add3A, %jit3A : i32
    %ne3A_14 = arith.constant 0 : i32
    %ne3A_15 = arith.cmpi ne, %rem3A, %ne3A_14 : i32
    %and3A = arith.andi %ne3A, %ne3A_15 : i1
    %sub3A = arith.constant 1 : i32
    %sub3A_16 = arith.subi %div3A, %sub3A : i32
    %select_n3A = arith.select %and3A, %sub3A_16, %div3A : i32
    %jit3A_17 = arith.constant 2 : i32
    %eq3A = arith.constant 0 : i32
    %eq3A_18 = arith.cmpi eq, %jit3A_17, %eq3A : i32
    %jit3A_19 = arith.constant 1 : i32
    %select_n3A_20 = arith.select %eq3A_18, %jit3A_19, %jit3A_17 : i32
    %rem3A_21 = arith.remsi %add3A, %select_n3A_20 : i32
    %ne3A_22 = arith.constant 0 : i32
    %ne3A_23 = arith.cmpi ne, %rem3A_21, %ne3A_22 : i32
    %lt3A = arith.constant 0 : i32
    %lt3A_24 = arith.cmpi slt, %rem3A_21, %lt3A : i32
    %lt3A_25 = arith.constant 0 : i32
    %lt3A_26 = arith.cmpi slt, %select_n3A_20, %lt3A_25 : i32
    %ne3A_27 = arith.xori %lt3A_24, %lt3A_26 : i1
    %and3A_28 = arith.andi %ne3A_27, %ne3A_23 : i1
    %add3A_29 = arith.addi %rem3A_21, %select_n3A_20 : i32
    %select_n3A_30 = arith.select %and3A_28, %add3A_29, %rem3A_21 : i32
    %mul3A_31 = arith.constant 128 : i32
    %mul3A_32 = arith.muli %select_n3A_30, %mul3A_31 : i32
    %mul3A_33 = arith.constant 8 : i32
    %mul3A_34 = arith.muli %mul3A_33, %mul3A_32 : i32
    %sub3A_35 = arith.constant 1024 : i32
    %sub3A_36 = arith.subi %sub3A_35, %mul3A_34 : i32
    %add3A_37 = arith.constant 0 : i32
    %add3A_38 = arith.addi %sub3A_36, %add3A_37 : i32
    %dma_start3A = arith.constant 0 : i32
    %dma_start3A_39 = arith.constant 0 : i32
    %dma_start3A_40 = arith.constant 0 : i32
    %dma_start3A_41 = tpu.memref_slice %arg4[%dma_start3A, %dma_start3A_39, %dma_start3A_40] : memref<4x8x3072xf32, #tpu.memory_space<vmem>> -> memref<1x8x3072xf32, #tpu.memory_space<vmem>>
    %dma_start3A_42 = tpu.memref_squeeze %dma_start3A_41 : memref<1x8x3072xf32, #tpu.memory_space<vmem>> -> memref<8x3072xf32, #tpu.memory_space<vmem>>
    %dma_start3A_43 = arith.constant 0 : i32
    %dma_start3A_44 = tpu.memref_slice %arg2[%dma_start3A_43, %select_n3A, %add3A_38] : memref<8x16x4480xf32, #tpu.memory_space<hbm>> -> memref<8x1x3072xf32, #tpu.memory_space<hbm>>
    %dma_start3A_45 = tpu.memref_squeeze %dma_start3A_44 : memref<8x1x3072xf32, #tpu.memory_space<hbm>> -> memref<8x3072xf32, #tpu.memory_space<hbm>>
    %dma_start3A_46 = arith.constant 0 : i32
    %dma_start3A_47 = arith.constant 0 : i32
    %dma_start3A_48 = tpu.memref_slice %arg4[%dma_start3A, %dma_start3A_46, %dma_start3A_47] : memref<4x8x3072xf32, #tpu.memory_space<vmem>> -> memref<1x8x3072xf32, #tpu.memory_space<vmem>>
    %dma_start3A_49 = tpu.memref_squeeze %dma_start3A_48 : memref<1x8x3072xf32, #tpu.memory_space<vmem>> -> memref<8x3072xf32, #tpu.memory_space<vmem>>
    %dma_start3A_50 = arith.constant 0 : i32
    %dma_start3A_51 = tpu.memref_slice %arg2[%dma_start3A_50, %select_n3A, %add3A_38] : memref<8x16x4480xf32, #tpu.memory_space<hbm>> -> memref<8x1x3072xf32, #tpu.memory_space<hbm>>
    %dma_start3A_52 = tpu.memref_squeeze %dma_start3A_51 : memref<8x1x3072xf32, #tpu.memory_space<hbm>> -> memref<8x3072xf32, #tpu.memory_space<hbm>>
    tpu.enqueue_dma source(%dma_start3A_52 : memref<8x3072xf32, #tpu.memory_space<hbm>>) target(%dma_start3A_49 : memref<8x3072xf32, #tpu.memory_space<vmem>>) target_semaphore(%arg5 : memref<!tpu.dma_semaphore, #tpu.memory_space<semaphore_mem>>)
    %add3A_53 = arith.constant 128 : i32
    %add3A_54 = arith.addi %sub3A_36, %add3A_53 : i32
    %dma_start3A_55 = arith.constant 1 : i32
    %dma_start3A_56 = arith.constant 0 : i32
    %dma_start3A_57 = arith.constant 0 : i32
    %dma_start3A_58 = tpu.memref_slice %arg4[%dma_start3A_55, %dma_start3A_56, %dma_start3A_57] : memref<4x8x3072xf32, #tpu.memory_space<vmem>> -> memref<1x8x3072xf32, #tpu.memory_space<vmem>>
    %dma_start3A_59 = tpu.memref_squeeze %dma_start3A_58 : memref<1x8x3072xf32, #tpu.memory_space<vmem>> -> memref<8x3072xf32, #tpu.memory_space<vmem>>
    %dma_start3A_60 = arith.constant 0 : i32
    %dma_start3A_61 = tpu.memref_slice %arg2[%dma_start3A_60, %select_n3A, %add3A_54] : memref<8x16x4480xf32, #tpu.memory_space<hbm>> -> memref<8x1x3072xf32, #tpu.memory_space<hbm>>
    %dma_start3A_62 = tpu.memref_squeeze %dma_start3A_61 : memref<8x1x3072xf32, #tpu.memory_space<hbm>> -> memref<8x3072xf32, #tpu.memory_space<hbm>>
    %dma_start3A_63 = arith.constant 0 : i32
    %dma_start3A_64 = arith.constant 0 : i32
    %dma_start3A_65 = tpu.memref_slice %arg4[%dma_start3A_55, %dma_start3A_63, %dma_start3A_64] : memref<4x8x3072xf32, #tpu.memory_space<vmem>> -> memref<1x8x3072xf32, #tpu.memory_space<vmem>>
    %dma_start3A_66 = tpu.memref_squeeze %dma_start3A_65 : memref<1x8x3072xf32, #tpu.memory_space<vmem>> -> memref<8x3072xf32, #tpu.memory_space<vmem>>
    %dma_start3A_67 = arith.constant 0 : i32
    %dma_start3A_68 = tpu.memref_slice %arg2[%dma_start3A_67, %select_n3A, %add3A_54] : memref<8x16x4480xf32, #tpu.memory_space<hbm>> -> memref<8x1x3072xf32, #tpu.memory_space<hbm>>
    %dma_start3A_69 = tpu.memref_squeeze %dma_start3A_68 : memref<8x1x3072xf32, #tpu.memory_space<hbm>> -> memref<8x3072xf32, #tpu.memory_space<hbm>>
    tpu.enqueue_dma source(%dma_start3A_69 : memref<8x3072xf32, #tpu.memory_space<hbm>>) target(%dma_start3A_66 : memref<8x3072xf32, #tpu.memory_space<vmem>>) target_semaphore(%arg5 : memref<!tpu.dma_semaphore, #tpu.memory_space<semaphore_mem>>)
    %add3A_70 = arith.constant 256 : i32
    %add3A_71 = arith.addi %sub3A_36, %add3A_70 : i32
    %dma_start3A_72 = arith.constant 2 : i32
    %dma_start3A_73 = arith.constant 0 : i32
    %dma_start3A_74 = arith.constant 0 : i32
    %dma_start3A_75 = tpu.memref_slice %arg4[%dma_start3A_72, %dma_start3A_73, %dma_start3A_74] : memref<4x8x3072xf32, #tpu.memory_space<vmem>> -> memref<1x8x3072xf32, #tpu.memory_space<vmem>>
    %dma_start3A_76 = tpu.memref_squeeze %dma_start3A_75 : memref<1x8x3072xf32, #tpu.memory_space<vmem>> -> memref<8x3072xf32, #tpu.memory_space<vmem>>
    %dma_start3A_77 = arith.constant 0 : i32
    %dma_start3A_78 = tpu.memref_slice %arg2[%dma_start3A_77, %select_n3A, %add3A_71] : memref<8x16x4480xf32, #tpu.memory_space<hbm>> -> memref<8x1x3072xf32, #tpu.memory_space<hbm>>
    %dma_start3A_79 = tpu.memref_squeeze %dma_start3A_78 : memref<8x1x3072xf32, #tpu.memory_space<hbm>> -> memref<8x3072xf32, #tpu.memory_space<hbm>>
    %dma_start3A_80 = arith.constant 0 : i32
    %dma_start3A_81 = arith.constant 0 : i32
    %dma_start3A_82 = tpu.memref_slice %arg4[%dma_start3A_72, %dma_start3A_80, %dma_start3A_81] : memref<4x8x3072xf32, #tpu.memory_space<vmem>> -> memref<1x8x3072xf32, #tpu.memory_space<vmem>>
    %dma_start3A_83 = tpu.memref_squeeze %dma_start3A_82 : memref<1x8x3072xf32, #tpu.memory_space<vmem>> -> memref<8x3072xf32, #tpu.memory_space<vmem>>
    %dma_start3A_84 = arith.constant 0 : i32
    %dma_start3A_85 = tpu.memref_slice %arg2[%dma_start3A_84, %select_n3A, %add3A_71] : memref<8x16x4480xf32, #tpu.memory_space<hbm>> -> memref<8x1x3072xf32, #tpu.memory_space<hbm>>
    %dma_start3A_86 = tpu.memref_squeeze %dma_start3A_85 : memref<8x1x3072xf32, #tpu.memory_space<hbm>> -> memref<8x3072xf32, #tpu.memory_space<hbm>>
    tpu.enqueue_dma source(%dma_start3A_86 : memref<8x3072xf32, #tpu.memory_space<hbm>>) target(%dma_start3A_83 : memref<8x3072xf32, #tpu.memory_space<vmem>>) target_semaphore(%arg5 : memref<!tpu.dma_semaphore, #tpu.memory_space<semaphore_mem>>)
    %add3A_87 = arith.constant 384 : i32
    %add3A_88 = arith.addi %sub3A_36, %add3A_87 : i32
    %dma_start3A_89 = arith.constant 3 : i32
    %dma_start3A_90 = arith.constant 0 : i32
    %dma_start3A_91 = arith.constant 0 : i32
    %dma_start3A_92 = tpu.memref_slice %arg4[%dma_start3A_89, %dma_start3A_90, %dma_start3A_91] : memref<4x8x3072xf32, #tpu.memory_space<vmem>> -> memref<1x8x3072xf32, #tpu.memory_space<vmem>>
    %dma_start3A_93 = tpu.memref_squeeze %dma_start3A_92 : memref<1x8x3072xf32, #tpu.memory_space<vmem>> -> memref<8x3072xf32, #tpu.memory_space<vmem>>
    %dma_start3A_94 = arith.constant 0 : i32
    %dma_start3A_95 = tpu.memref_slice %arg2[%dma_start3A_94, %select_n3A, %add3A_88] : memref<8x16x4480xf32, #tpu.memory_space<hbm>> -> memref<8x1x3072xf32, #tpu.memory_space<hbm>>
    %dma_start3A_96 = tpu.memref_squeeze %dma_start3A_95 : memref<8x1x3072xf32, #tpu.memory_space<hbm>> -> memref<8x3072xf32, #tpu.memory_space<hbm>>
    %dma_start3A_97 = arith.constant 0 : i32
    %dma_start3A_98 = arith.constant 0 : i32
    %dma_start3A_99 = tpu.memref_slice %arg4[%dma_start3A_89, %dma_start3A_97, %dma_start3A_98] : memref<4x8x3072xf32, #tpu.memory_space<vmem>> -> memref<1x8x3072xf32, #tpu.memory_space<vmem>>
    %dma_start3A_100 = tpu.memref_squeeze %dma_start3A_99 : memref<1x8x3072xf32, #tpu.memory_space<vmem>> -> memref<8x3072xf32, #tpu.memory_space<vmem>>
    %dma_start3A_101 = arith.constant 0 : i32
    %dma_start3A_102 = tpu.memref_slice %arg2[%dma_start3A_101, %select_n3A, %add3A_88] : memref<8x16x4480xf32, #tpu.memory_space<hbm>> -> memref<8x1x3072xf32, #tpu.memory_space<hbm>>
    %dma_start3A_103 = tpu.memref_squeeze %dma_start3A_102 : memref<8x1x3072xf32, #tpu.memory_space<hbm>> -> memref<8x3072xf32, #tpu.memory_space<hbm>>
    tpu.enqueue_dma source(%dma_start3A_103 : memref<8x3072xf32, #tpu.memory_space<hbm>>) target(%dma_start3A_100 : memref<8x3072xf32, #tpu.memory_space<vmem>>) target_semaphore(%arg5 : memref<!tpu.dma_semaphore, #tpu.memory_space<semaphore_mem>>)
    %dma_wait3A = arith.constant 0 : i32
    %dma_wait3A_104 = arith.constant 0 : i32
    %dma_wait3A_105 = arith.constant 0 : i32
    %dma_wait3A_106 = tpu.memref_slice %arg4[%dma_wait3A, %dma_wait3A_104, %dma_wait3A_105] : memref<4x8x3072xf32, #tpu.memory_space<vmem>> -> memref<1x8x3072xf32, #tpu.memory_space<vmem>>
    %dma_wait3A_107 = tpu.memref_squeeze %dma_wait3A_106 : memref<1x8x3072xf32, #tpu.memory_space<vmem>> -> memref<8x3072xf32, #tpu.memory_space<vmem>>
    %dma_wait3A_108 = arith.constant 0 : i32
    %dma_wait3A_109 = tpu.memref_slice %arg2[%dma_wait3A_108, %select_n3A, %add3A_38] : memref<8x16x4480xf32, #tpu.memory_space<hbm>> -> memref<8x1x3072xf32, #tpu.memory_space<hbm>>
    %dma_wait3A_110 = tpu.memref_squeeze %dma_wait3A_109 : memref<8x1x3072xf32, #tpu.memory_space<hbm>> -> memref<8x3072xf32, #tpu.memory_space<hbm>>
    %dma_wait3A_111 = arith.constant 0 : i32
    %dma_wait3A_112 = arith.constant 0 : i32
    %dma_wait3A_113 = tpu.memref_slice %arg4[%dma_wait3A, %dma_wait3A_111, %dma_wait3A_112] : memref<4x8x3072xf32, #tpu.memory_space<vmem>> -> memref<1x8x3072xf32, #tpu.memory_space<vmem>>
    %dma_wait3A_114 = tpu.memref_squeeze %dma_wait3A_113 : memref<1x8x3072xf32, #tpu.memory_space<vmem>> -> memref<8x3072xf32, #tpu.memory_space<vmem>>
    %dma_wait3A_115 = arith.constant 0 : i32
    %dma_wait3A_116 = tpu.memref_slice %arg2[%dma_wait3A_115, %select_n3A, %add3A_38] : memref<8x16x4480xf32, #tpu.memory_space<hbm>> -> memref<8x1x3072xf32, #tpu.memory_space<hbm>>
    %dma_wait3A_117 = tpu.memref_squeeze %dma_wait3A_116 : memref<8x1x3072xf32, #tpu.memory_space<hbm>> -> memref<8x3072xf32, #tpu.memory_space<hbm>>
    tpu.wait_dma2 semaphore(%arg5 : memref<!tpu.dma_semaphore, #tpu.memory_space<semaphore_mem>>) src(%dma_wait3A_117 : memref<8x3072xf32, #tpu.memory_space<hbm>>) dst(%dma_wait3A_114 : memref<8x3072xf32, #tpu.memory_space<vmem>>)
    %dma_wait3A_118 = arith.constant 1 : i32
    %dma_wait3A_119 = arith.constant 0 : i32
    %dma_wait3A_120 = arith.constant 0 : i32
    %dma_wait3A_121 = tpu.memref_slice %arg4[%dma_wait3A_118, %dma_wait3A_119, %dma_wait3A_120] : memref<4x8x3072xf32, #tpu.memory_space<vmem>> -> memref<1x8x3072xf32, #tpu.memory_space<vmem>>
    %dma_wait3A_122 = tpu.memref_squeeze %dma_wait3A_121 : memref<1x8x3072xf32, #tpu.memory_space<vmem>> -> memref<8x3072xf32, #tpu.memory_space<vmem>>
    %dma_wait3A_123 = arith.constant 0 : i32
    %dma_wait3A_124 = tpu.memref_slice %arg2[%dma_wait3A_123, %select_n3A, %add3A_54] : memref<8x16x4480xf32, #tpu.memory_space<hbm>> -> memref<8x1x3072xf32, #tpu.memory_space<hbm>>
    %dma_wait3A_125 = tpu.memref_squeeze %dma_wait3A_124 : memref<8x1x3072xf32, #tpu.memory_space<hbm>> -> memref<8x3072xf32, #tpu.memory_space<hbm>>
    %dma_wait3A_126 = arith.constant 0 : i32
    %dma_wait3A_127 = arith.constant 0 : i32
    %dma_wait3A_128 = tpu.memref_slice %arg4[%dma_wait3A_118, %dma_wait3A_126, %dma_wait3A_127] : memref<4x8x3072xf32, #tpu.memory_space<vmem>> -> memref<1x8x3072xf32, #tpu.memory_space<vmem>>
    %dma_wait3A_129 = tpu.memref_squeeze %dma_wait3A_128 : memref<1x8x3072xf32, #tpu.memory_space<vmem>> -> memref<8x3072xf32, #tpu.memory_space<vmem>>
    %dma_wait3A_130 = arith.constant 0 : i32
    %dma_wait3A_131 = tpu.memref_slice %arg2[%dma_wait3A_130, %select_n3A, %add3A_54] : memref<8x16x4480xf32, #tpu.memory_space<hbm>> -> memref<8x1x3072xf32, #tpu.memory_space<hbm>>
    %dma_wait3A_132 = tpu.memref_squeeze %dma_wait3A_131 : memref<8x1x3072xf32, #tpu.memory_space<hbm>> -> memref<8x3072xf32, #tpu.memory_space<hbm>>
    tpu.wait_dma2 semaphore(%arg5 : memref<!tpu.dma_semaphore, #tpu.memory_space<semaphore_mem>>) src(%dma_wait3A_132 : memref<8x3072xf32, #tpu.memory_space<hbm>>) dst(%dma_wait3A_129 : memref<8x3072xf32, #tpu.memory_space<vmem>>)
    %dma_wait3A_133 = arith.constant 2 : i32
    %dma_wait3A_134 = arith.constant 0 : i32
    %dma_wait3A_135 = arith.constant 0 : i32
    %dma_wait3A_136 = tpu.memref_slice %arg4[%dma_wait3A_133, %dma_wait3A_134, %dma_wait3A_135] : memref<4x8x3072xf32, #tpu.memory_space<vmem>> -> memref<1x8x3072xf32, #tpu.memory_space<vmem>>
    %dma_wait3A_137 = tpu.memref_squeeze %dma_wait3A_136 : memref<1x8x3072xf32, #tpu.memory_space<vmem>> -> memref<8x3072xf32, #tpu.memory_space<vmem>>
    %dma_wait3A_138 = arith.constant 0 : i32
    %dma_wait3A_139 = tpu.memref_slice %arg2[%dma_wait3A_138, %select_n3A, %add3A_71] : memref<8x16x4480xf32, #tpu.memory_space<hbm>> -> memref<8x1x3072xf32, #tpu.memory_space<hbm>>
    %dma_wait3A_140 = tpu.memref_squeeze %dma_wait3A_139 : memref<8x1x3072xf32, #tpu.memory_space<hbm>> -> memref<8x3072xf32, #tpu.memory_space<hbm>>
    %dma_wait3A_141 = arith.constant 0 : i32
    %dma_wait3A_142 = arith.constant 0 : i32
    %dma_wait3A_143 = tpu.memref_slice %arg4[%dma_wait3A_133, %dma_wait3A_141, %dma_wait3A_142] : memref<4x8x3072xf32, #tpu.memory_space<vmem>> -> memref<1x8x3072xf32, #tpu.memory_space<vmem>>
    %dma_wait3A_144 = tpu.memref_squeeze %dma_wait3A_143 : memref<1x8x3072xf32, #tpu.memory_space<vmem>> -> memref<8x3072xf32, #tpu.memory_space<vmem>>
    %dma_wait3A_145 = arith.constant 0 : i32
    %dma_wait3A_146 = tpu.memref_slice %arg2[%dma_wait3A_145, %select_n3A, %add3A_71] : memref<8x16x4480xf32, #tpu.memory_space<hbm>> -> memref<8x1x3072xf32, #tpu.memory_space<hbm>>
    %dma_wait3A_147 = tpu.memref_squeeze %dma_wait3A_146 : memref<8x1x3072xf32, #tpu.memory_space<hbm>> -> memref<8x3072xf32, #tpu.memory_space<hbm>>
    tpu.wait_dma2 semaphore(%arg5 : memref<!tpu.dma_semaphore, #tpu.memory_space<semaphore_mem>>) src(%dma_wait3A_147 : memref<8x3072xf32, #tpu.memory_space<hbm>>) dst(%dma_wait3A_144 : memref<8x3072xf32, #tpu.memory_space<vmem>>)
    %dma_wait3A_148 = arith.constant 3 : i32
    %dma_wait3A_149 = arith.constant 0 : i32
    %dma_wait3A_150 = arith.constant 0 : i32
    %dma_wait3A_151 = tpu.memref_slice %arg4[%dma_wait3A_148, %dma_wait3A_149, %dma_wait3A_150] : memref<4x8x3072xf32, #tpu.memory_space<vmem>> -> memref<1x8x3072xf32, #tpu.memory_space<vmem>>
    %dma_wait3A_152 = tpu.memref_squeeze %dma_wait3A_151 : memref<1x8x3072xf32, #tpu.memory_space<vmem>> -> memref<8x3072xf32, #tpu.memory_space<vmem>>
    %dma_wait3A_153 = arith.constant 0 : i32
    %dma_wait3A_154 = tpu.memref_slice %arg2[%dma_wait3A_153, %select_n3A, %add3A_88] : memref<8x16x4480xf32, #tpu.memory_space<hbm>> -> memref<8x1x3072xf32, #tpu.memory_space<hbm>>
    %dma_wait3A_155 = tpu.memref_squeeze %dma_wait3A_154 : memref<8x1x3072xf32, #tpu.memory_space<hbm>> -> memref<8x3072xf32, #tpu.memory_space<hbm>>
    %dma_wait3A_156 = arith.constant 0 : i32
    %dma_wait3A_157 = arith.constant 0 : i32
    %dma_wait3A_158 = tpu.memref_slice %arg4[%dma_wait3A_148, %dma_wait3A_156, %dma_wait3A_157] : memref<4x8x3072xf32, #tpu.memory_space<vmem>> -> memref<1x8x3072xf32, #tpu.memory_space<vmem>>
    %dma_wait3A_159 = tpu.memref_squeeze %dma_wait3A_158 : memref<1x8x3072xf32, #tpu.memory_space<vmem>> -> memref<8x3072xf32, #tpu.memory_space<vmem>>
    %dma_wait3A_160 = arith.constant 0 : i32
    %dma_wait3A_161 = tpu.memref_slice %arg2[%dma_wait3A_160, %select_n3A, %add3A_88] : memref<8x16x4480xf32, #tpu.memory_space<hbm>> -> memref<8x1x3072xf32, #tpu.memory_space<hbm>>
    %dma_wait3A_162 = tpu.memref_squeeze %dma_wait3A_161 : memref<8x1x3072xf32, #tpu.memory_space<hbm>> -> memref<8x3072xf32, #tpu.memory_space<hbm>>
    tpu.wait_dma2 semaphore(%arg5 : memref<!tpu.dma_semaphore, #tpu.memory_space<semaphore_mem>>) src(%dma_wait3A_162 : memref<8x3072xf32, #tpu.memory_space<hbm>>) dst(%dma_wait3A_159 : memref<8x3072xf32, #tpu.memory_space<vmem>>)
    %scan3A = arith.constant 0 : i32
    %scan3A_163 = arith.constant 0 : i32
    %scan3A_164 = arith.constant 128 : i32
    %scan3A_165 = arith.addi %scan3A_163, %scan3A_164 : i32
    %scan3A_166 = arith.constant 1 : i32
    scf.for %scan3A_174 = %scan3A_163 to %scan3A_165 step %scan3A_166  : i32 {
      %add3A_175 = arith.addi %mul3A_32, %scan3A_174 : i32
      %mul3A_176 = arith.constant 8 : i32
      %mul3A_177 = arith.muli %mul3A_176, %scan3A_174 : i32
      %sub3A_178 = arith.constant 1016 : i32
      %sub3A_179 = arith.subi %sub3A_178, %mul3A_177 : i32
      %scan3A_180 = arith.constant 0 : i32
      %scan3A_181 = arith.constant 4 : i32
      %scan3A_182 = arith.addi %scan3A_180, %scan3A_181 : i32
      %scan3A_183 = arith.constant 1 : i32
      scf.for %scan3A_185 = %scan3A_180 to %scan3A_182 step %scan3A_183  : i32 {
        %mul3A_186 = arith.constant 512 : i32
        %mul3A_187 = arith.muli %mul3A_186, %scan3A_185 : i32
        %add3A_188 = arith.addi %sub3A_179, %mul3A_187 : i32
        %mul3A_189 = arith.constant 4 : i32
        %mul3A_190 = arith.muli %mul3A_189, %scan3A_185 : i32
        %dma_start3A_191 = arith.constant 0 : i32
        %dma_start3A_192 = arith.constant 0 : i32
        %dma_start3A_193 = tpu.memref_slice %arg4[%dma_start3A_191, %dma_start3A_192, %add3A_188] : memref<4x8x3072xf32, #tpu.memory_space<vmem>> -> memref<4x8x128xf32, #tpu.memory_space<vmem>>
        %dma_start3A_194 = arith.constant 0 : i32
        %dma_start3A_195 = arith.constant 0 : i32
        %dma_start3A_196 = tpu.memref_slice %arg3[%select_n3A, %add3A_175, %mul3A_190, %dma_start3A_194, %dma_start3A_195] : memref<16x256x16x8x128xf32, #tpu.memory_space<hbm>> -> memref<1x1x4x8x128xf32, #tpu.memory_space<hbm>>
        %dma_start3A_197 = tpu.memref_squeeze %dma_start3A_196 : memref<1x1x4x8x128xf32, #tpu.memory_space<hbm>> -> memref<4x8x128xf32, #tpu.memory_space<hbm>>
        %dma_start3A_198 = arith.constant 0 : i32
        %dma_start3A_199 = arith.constant 0 : i32
        %dma_start3A_200 = tpu.memref_slice %arg3[%select_n3A, %add3A_175, %mul3A_190, %dma_start3A_198, %dma_start3A_199] : memref<16x256x16x8x128xf32, #tpu.memory_space<hbm>> -> memref<1x1x4x8x128xf32, #tpu.memory_space<hbm>>
        %dma_start3A_201 = tpu.memref_squeeze %dma_start3A_200 : memref<1x1x4x8x128xf32, #tpu.memory_space<hbm>> -> memref<4x8x128xf32, #tpu.memory_space<hbm>>
        %dma_start3A_202 = arith.constant 0 : i32
        %dma_start3A_203 = arith.constant 0 : i32
        %dma_start3A_204 = tpu.memref_slice %arg4[%dma_start3A_202, %dma_start3A_203, %add3A_188] : memref<4x8x3072xf32, #tpu.memory_space<vmem>> -> memref<4x8x128xf32, #tpu.memory_space<vmem>>
        tpu.enqueue_dma source(%dma_start3A_204 : memref<4x8x128xf32, #tpu.memory_space<vmem>>) target(%dma_start3A_201 : memref<4x8x128xf32, #tpu.memory_space<hbm>>) target_semaphore(%arg6 : memref<!tpu.dma_semaphore, #tpu.memory_space<semaphore_mem>>)
      }
      %scan3A_184 = arith.constant 4 : i32
    }
    %scan3A_167 = arith.constant 128 : i32
    %scan3A_168 = arith.constant 0 : i32
    %scan3A_169 = arith.constant 0 : i32
    %scan3A_170 = arith.constant 512 : i32
    %scan3A_171 = arith.addi %scan3A_169, %scan3A_170 : i32
    %scan3A_172 = arith.constant 1 : i32
    scf.for %scan3A_174 = %scan3A_169 to %scan3A_171 step %scan3A_172  : i32 {
      %dma_wait3A_175 = arith.constant 0 : i32
      %dma_wait3A_176 = arith.constant 0 : i32
      %dma_wait3A_177 = arith.constant 0 : i32
      %dma_wait3A_178 = arith.constant 0 : i32
      %dma_wait3A_179 = arith.constant 0 : i32
      %dma_wait3A_180 = tpu.memref_slice %arg4[%dma_wait3A_177, %dma_wait3A_178, %dma_wait3A_179] : memref<4x8x3072xf32, #tpu.memory_space<vmem>> -> memref<4x8x128xf32, #tpu.memory_space<vmem>>
      %dma_wait3A_181 = arith.constant 0 : i32
      %dma_wait3A_182 = arith.constant 0 : i32
      %dma_wait3A_183 = arith.constant 0 : i32
      %dma_wait3A_184 = tpu.memref_slice %arg3[%dma_wait3A_175, %dma_wait3A_176, %dma_wait3A_181, %dma_wait3A_182, %dma_wait3A_183] : memref<16x256x16x8x128xf32, #tpu.memory_space<hbm>> -> memref<1x1x4x8x128xf32, #tpu.memory_space<hbm>>
      %dma_wait3A_185 = tpu.memref_squeeze %dma_wait3A_184 : memref<1x1x4x8x128xf32, #tpu.memory_space<hbm>> -> memref<4x8x128xf32, #tpu.memory_space<hbm>>
      %dma_wait3A_186 = arith.constant 0 : i32
      %dma_wait3A_187 = arith.constant 0 : i32
      %dma_wait3A_188 = arith.constant 0 : i32
      %dma_wait3A_189 = tpu.memref_slice %arg4[%dma_wait3A_186, %dma_wait3A_187, %dma_wait3A_188] : memref<4x8x3072xf32, #tpu.memory_space<vmem>> -> memref<4x8x128xf32, #tpu.memory_space<vmem>>
      %dma_wait3A_190 = arith.constant 0 : i32
      %dma_wait3A_191 = arith.constant 0 : i32
      %dma_wait3A_192 = arith.constant 0 : i32
      %dma_wait3A_193 = tpu.memref_slice %arg3[%dma_wait3A_175, %dma_wait3A_176, %dma_wait3A_190, %dma_wait3A_191, %dma_wait3A_192] : memref<16x256x16x8x128xf32, #tpu.memory_space<hbm>> -> memref<1x1x4x8x128xf32, #tpu.memory_space<hbm>>
      %dma_wait3A_194 = tpu.memref_squeeze %dma_wait3A_193 : memref<1x1x4x8x128xf32, #tpu.memory_space<hbm>> -> memref<4x8x128xf32, #tpu.memory_space<hbm>>
      tpu.wait_dma2 semaphore(%arg6 : memref<!tpu.dma_semaphore, #tpu.memory_space<semaphore_mem>>) src(%dma_wait3A_194 : memref<4x8x128xf32, #tpu.memory_space<hbm>>) dst(%dma_wait3A_189 : memref<4x8x128xf32, #tpu.memory_space<vmem>>)
    }
    %scan3A_173 = arith.constant 512 : i32
    return
  }
}

module attributes {stable_mosaic.version = 14 : i64} {
  func.func @_table_kernel(%arg0: i32, %arg1: memref<16x32xf32, #tpu.memory_space<vmem>>, %arg2: memref<1x16x4480xf32, #tpu.memory_space<vmem>>) attributes {dimension_semantics = [#tpu.dimension_semantics<arbitrary>], iteration_bounds = array<i64: 8>, scalar_prefetch = 0 : i64, scratch_operands = 0 : i64, tpu.core_type = #tpu.core_type<tc>, window_params = [{pipeline_mode = #tpu.pipeline_mode<synchronous>, transform_indices = @transform_0, window_bounds = array<i64: 16, 32>}, {transform_indices = @transform_1, window_bounds = array<i64: 1, 16, 4480>}]} {
    %iota3A = tpu.iota {dimensions = array<i32: 1>} : vector<16x4480xi32>
    %add3A = arith.constant 2040 : i32
    %add3A_0 = arith.addi %add3A, %arg0 : i32
    %lt3A = vector.broadcast %add3A_0 : i32 to vector<16x4480xi32>
    %lt3A_1 = arith.cmpi slt, %iota3A, %lt3A : vector<16x4480xi32>
    %get3A = arith.constant 0 : index
    %get3A_2 = arith.constant 31 : index
    %get3A_3 = vector.load %arg1[%get3A, %get3A_2] : memref<16x32xf32, #tpu.memory_space<vmem>>, vector<16x1xf32>
    %get3A_4 = arith.constant 0 : index
    %get3A_5 = arith.constant 15 : index
    %get3A_6 = vector.load %arg1[%get3A_4, %get3A_5] : memref<16x32xf32, #tpu.memory_space<vmem>>, vector<16x1xf32>
    %broadcast_in_dim3A = vector.shape_cast %get3A_3 : vector<16x1xf32> to vector<16x1xf32>
    %broadcast_in_dim3A_7 = vector.broadcast %broadcast_in_dim3A : vector<16x1xf32> to vector<16x4480xf32>
    %broadcast_in_dim3A_8 = vector.shape_cast %get3A_6 : vector<16x1xf32> to vector<16x1xf32>
    %broadcast_in_dim3A_9 = vector.broadcast %broadcast_in_dim3A_8 : vector<16x1xf32> to vector<16x4480xf32>
    %select_n3A = arith.select %lt3A_1, %broadcast_in_dim3A_7, %broadcast_in_dim3A_9 : vector<16x4480xi1>, vector<16x4480xf32>
    %swap3A = arith.constant 0 : index
    %swap3A_10 = arith.constant 0 : index
    %swap3A_11 = arith.constant 0 : index
    %swap3A_12 = vector.load %arg2[%swap3A, %swap3A_10, %swap3A_11] : memref<1x16x4480xf32, #tpu.memory_space<vmem>>, vector<1x16x4480xf32>
    %swap3A_13 = vector.shape_cast %swap3A_12 : vector<1x16x4480xf32> to vector<16x4480xf32>
    %swap3A_14 = vector.shape_cast %select_n3A : vector<16x4480xf32> to vector<1x16x4480xf32>
    tpu.vector_store %arg2[%swap3A, %swap3A_10, %swap3A_11], %swap3A_14 {strides = array<i32>} : memref<1x16x4480xf32, #tpu.memory_space<vmem>>, vector<1x16x4480xf32>,
    %iota3A_15 = tpu.iota {dimensions = array<i32: 1>} : vector<16x384xi32>
    %add3A_16 = arith.constant 1920 : i32
    %add3A_17 = vector.broadcast %add3A_16 : i32 to vector<16x384xi32>
    %add3A_18 = arith.addi %iota3A_15, %add3A_17 : vector<16x384xi32>
    %add3A_19 = arith.constant 2040 : i32
    %add3A_20 = arith.addi %add3A_19, %arg0 : i32
    %sub3A = vector.broadcast %add3A_20 : i32 to vector<16x384xi32>
    %sub3A_21 = arith.subi %add3A_18, %sub3A : vector<16x384xi32>
    %lt3A_22 = arith.constant 0 : i32
    %lt3A_23 = vector.broadcast %lt3A_22 : i32 to vector<16x384xi32>
    %lt3A_24 = arith.cmpi slt, %sub3A_21, %lt3A_23 : vector<16x384xi32>
    %jit3A = arith.constant 16 : i32
    %jit3A_25 = arith.constant 0 : i32
    %broadcast_in_dim3A_26 = vector.broadcast %jit3A : i32 to vector<16x384xi32>
    %broadcast_in_dim3A_27 = vector.broadcast %jit3A_25 : i32 to vector<16x384xi32>
    %select_n3A_28 = arith.select %lt3A_24, %broadcast_in_dim3A_26, %broadcast_in_dim3A_27 : vector<16x384xi1>, vector<16x384xi32>
    %abs3A = math.absi %sub3A_21 : vector<16x384xi32>
    %lt3A_29 = arith.constant 8 : i32
    %lt3A_30 = vector.broadcast %lt3A_29 : i32 to vector<16x384xi32>
    %lt3A_31 = arith.cmpi slt, %abs3A, %lt3A_30 : vector<16x384xi32>
    %max3A = arith.constant 1 : i32
    %max3A_32 = vector.broadcast %max3A : i32 to vector<16x384xi32>
    %max3A_33 = arith.maxsi %abs3A, %max3A_32 : vector<16x384xi32>
    %convert_element_type3A = arith.sitofp %max3A_33 : vector<16x384xi32> to vector<16x384xf32>
    %div3A = arith.constant 8.000000e+00 : f32
    %div3A_34 = vector.broadcast %div3A : f32 to vector<16x384xf32>
    %div3A_35 = arith.divf %convert_element_type3A, %div3A_34 : vector<16x384xf32>
    %log3A = math.log %div3A_35 : vector<16x384xf32>
    %div3A_36 = arith.constant 2.77258873 : f32
    %div3A_37 = vector.broadcast %div3A_36 : f32 to vector<16x384xf32>
    %div3A_38 = arith.divf %log3A, %div3A_37 : vector<16x384xf32>
    %mul3A = arith.constant 8.000000e+00 : f32
    %mul3A_39 = vector.broadcast %mul3A : f32 to vector<16x384xf32>
    %mul3A_40 = arith.mulf %div3A_38, %mul3A_39 : vector<16x384xf32>
    %convert_element_type3A_41 = arith.fptosi %mul3A_40 : vector<16x384xf32> to vector<16x384xi32>
    %add3A_42 = arith.constant 8 : i32
    %add3A_43 = vector.broadcast %add3A_42 : i32 to vector<16x384xi32>
    %add3A_44 = arith.addi %add3A_43, %convert_element_type3A_41 : vector<16x384xi32>
    %min3A = arith.constant 15 : i32
    %min3A_45 = vector.broadcast %min3A : i32 to vector<16x384xi32>
    %min3A_46 = arith.minsi %add3A_44, %min3A_45 : vector<16x384xi32>
    %select_n3A_47 = arith.select %lt3A_31, %abs3A, %min3A_46 : vector<16x384xi1>, vector<16x384xi32>
    %add3A_48 = arith.addi %select_n3A_28, %select_n3A_47 : vector<16x384xi32>
    %broadcast_in_dim3A_49 = arith.constant 0.000000e+00 : f32
    %broadcast_in_dim3A_50 = vector.broadcast %broadcast_in_dim3A_49 : f32 to vector<16x384xf32>
    %eq3A = arith.constant 0 : i32
    %eq3A_51 = vector.broadcast %eq3A : i32 to vector<16x384xi32>
    %eq3A_52 = arith.cmpi eq, %add3A_48, %eq3A_51 : vector<16x384xi32>
    %get3A_53 = arith.constant 0 : index
    %get3A_54 = arith.constant 0 : index
    %get3A_55 = vector.load %arg1[%get3A_53, %get3A_54] : memref<16x32xf32, #tpu.memory_space<vmem>>, vector<16x1xf32>
    %jit3A_56 = arith.constant 0.000000e+00 : f32
    %broadcast_in_dim3A_57 = vector.shape_cast %get3A_55 : vector<16x1xf32> to vector<16x1xf32>
    %broadcast_in_dim3A_58 = vector.broadcast %broadcast_in_dim3A_57 : vector<16x1xf32> to vector<16x384xf32>
    %broadcast_in_dim3A_59 = vector.broadcast %jit3A_56 : f32 to vector<16x384xf32>
    %select_n3A_60 = arith.select %eq3A_52, %broadcast_in_dim3A_58, %broadcast_in_dim3A_59 : vector<16x384xi1>, vector<16x384xf32>
    %add3A_61 = arith.addf %broadcast_in_dim3A_50, %select_n3A_60 : vector<16x384xf32>
    %eq3A_62 = arith.constant 1 : i32
    %eq3A_63 = vector.broadcast %eq3A_62 : i32 to vector<16x384xi32>
    %eq3A_64 = arith.cmpi eq, %add3A_48, %eq3A_63 : vector<16x384xi32>
    %get3A_65 = arith.constant 0 : index
    %get3A_66 = arith.constant 1 : index
    %get3A_67 = vector.load %arg1[%get3A_65, %get3A_66] : memref<16x32xf32, #tpu.memory_space<vmem>>, vector<16x1xf32>
    %jit3A_68 = arith.constant 0.000000e+00 : f32
    %broadcast_in_dim3A_69 = vector.shape_cast %get3A_67 : vector<16x1xf32> to vector<16x1xf32>
    %broadcast_in_dim3A_70 = vector.broadcast %broadcast_in_dim3A_69 : vector<16x1xf32> to vector<16x384xf32>
    %broadcast_in_dim3A_71 = vector.broadcast %jit3A_68 : f32 to vector<16x384xf32>
    %select_n3A_72 = arith.select %eq3A_64, %broadcast_in_dim3A_70, %broadcast_in_dim3A_71 : vector<16x384xi1>, vector<16x384xf32>
    %add3A_73 = arith.addf %add3A_61, %select_n3A_72 : vector<16x384xf32>
    %eq3A_74 = arith.constant 2 : i32
    %eq3A_75 = vector.broadcast %eq3A_74 : i32 to vector<16x384xi32>
    %eq3A_76 = arith.cmpi eq, %add3A_48, %eq3A_75 : vector<16x384xi32>
    %get3A_77 = arith.constant 0 : index
    %get3A_78 = arith.constant 2 : index
    %get3A_79 = vector.load %arg1[%get3A_77, %get3A_78] : memref<16x32xf32, #tpu.memory_space<vmem>>, vector<16x1xf32>
    %jit3A_80 = arith.constant 0.000000e+00 : f32
    %broadcast_in_dim3A_81 = vector.shape_cast %get3A_79 : vector<16x1xf32> to vector<16x1xf32>
    %broadcast_in_dim3A_82 = vector.broadcast %broadcast_in_dim3A_81 : vector<16x1xf32> to vector<16x384xf32>
    %broadcast_in_dim3A_83 = vector.broadcast %jit3A_80 : f32 to vector<16x384xf32>
    %select_n3A_84 = arith.select %eq3A_76, %broadcast_in_dim3A_82, %broadcast_in_dim3A_83 : vector<16x384xi1>, vector<16x384xf32>
    %add3A_85 = arith.addf %add3A_73, %select_n3A_84 : vector<16x384xf32>
    %eq3A_86 = arith.constant 3 : i32
    %eq3A_87 = vector.broadcast %eq3A_86 : i32 to vector<16x384xi32>
    %eq3A_88 = arith.cmpi eq, %add3A_48, %eq3A_87 : vector<16x384xi32>
    %get3A_89 = arith.constant 0 : index
    %get3A_90 = arith.constant 3 : index
    %get3A_91 = vector.load %arg1[%get3A_89, %get3A_90] : memref<16x32xf32, #tpu.memory_space<vmem>>, vector<16x1xf32>
    %jit3A_92 = arith.constant 0.000000e+00 : f32
    %broadcast_in_dim3A_93 = vector.shape_cast %get3A_91 : vector<16x1xf32> to vector<16x1xf32>
    %broadcast_in_dim3A_94 = vector.broadcast %broadcast_in_dim3A_93 : vector<16x1xf32> to vector<16x384xf32>
    %broadcast_in_dim3A_95 = vector.broadcast %jit3A_92 : f32 to vector<16x384xf32>
    %select_n3A_96 = arith.select %eq3A_88, %broadcast_in_dim3A_94, %broadcast_in_dim3A_95 : vector<16x384xi1>, vector<16x384xf32>
    %add3A_97 = arith.addf %add3A_85, %select_n3A_96 : vector<16x384xf32>
    %eq3A_98 = arith.constant 4 : i32
    %eq3A_99 = vector.broadcast %eq3A_98 : i32 to vector<16x384xi32>
    %eq3A_100 = arith.cmpi eq, %add3A_48, %eq3A_99 : vector<16x384xi32>
    %get3A_101 = arith.constant 0 : index
    %get3A_102 = arith.constant 4 : index
    %get3A_103 = vector.load %arg1[%get3A_101, %get3A_102] : memref<16x32xf32, #tpu.memory_space<vmem>>, vector<16x1xf32>
    %jit3A_104 = arith.constant 0.000000e+00 : f32
    %broadcast_in_dim3A_105 = vector.shape_cast %get3A_103 : vector<16x1xf32> to vector<16x1xf32>
    %broadcast_in_dim3A_106 = vector.broadcast %broadcast_in_dim3A_105 : vector<16x1xf32> to vector<16x384xf32>
    %broadcast_in_dim3A_107 = vector.broadcast %jit3A_104 : f32 to vector<16x384xf32>
    %select_n3A_108 = arith.select %eq3A_100, %broadcast_in_dim3A_106, %broadcast_in_dim3A_107 : vector<16x384xi1>, vector<16x384xf32>
    %add3A_109 = arith.addf %add3A_97, %select_n3A_108 : vector<16x384xf32>
    %eq3A_110 = arith.constant 5 : i32
    %eq3A_111 = vector.broadcast %eq3A_110 : i32 to vector<16x384xi32>
    %eq3A_112 = arith.cmpi eq, %add3A_48, %eq3A_111 : vector<16x384xi32>
    %get3A_113 = arith.constant 0 : index
    %get3A_114 = arith.constant 5 : index
    %get3A_115 = vector.load %arg1[%get3A_113, %get3A_114] : memref<16x32xf32, #tpu.memory_space<vmem>>, vector<16x1xf32>
    %jit3A_116 = arith.constant 0.000000e+00 : f32
    %broadcast_in_dim3A_117 = vector.shape_cast %get3A_115 : vector<16x1xf32> to vector<16x1xf32>
    %broadcast_in_dim3A_118 = vector.broadcast %broadcast_in_dim3A_117 : vector<16x1xf32> to vector<16x384xf32>
    %broadcast_in_dim3A_119 = vector.broadcast %jit3A_116 : f32 to vector<16x384xf32>
    %select_n3A_120 = arith.select %eq3A_112, %broadcast_in_dim3A_118, %broadcast_in_dim3A_119 : vector<16x384xi1>, vector<16x384xf32>
    %add3A_121 = arith.addf %add3A_109, %select_n3A_120 : vector<16x384xf32>
    %eq3A_122 = arith.constant 6 : i32
    %eq3A_123 = vector.broadcast %eq3A_122 : i32 to vector<16x384xi32>
    %eq3A_124 = arith.cmpi eq, %add3A_48, %eq3A_123 : vector<16x384xi32>
    %get3A_125 = arith.constant 0 : index
    %get3A_126 = arith.constant 6 : index
    %get3A_127 = vector.load %arg1[%get3A_125, %get3A_126] : memref<16x32xf32, #tpu.memory_space<vmem>>, vector<16x1xf32>
    %jit3A_128 = arith.constant 0.000000e+00 : f32
    %broadcast_in_dim3A_129 = vector.shape_cast %get3A_127 : vector<16x1xf32> to vector<16x1xf32>
    %broadcast_in_dim3A_130 = vector.broadcast %broadcast_in_dim3A_129 : vector<16x1xf32> to vector<16x384xf32>
    %broadcast_in_dim3A_131 = vector.broadcast %jit3A_128 : f32 to vector<16x384xf32>
    %select_n3A_132 = arith.select %eq3A_124, %broadcast_in_dim3A_130, %broadcast_in_dim3A_131 : vector<16x384xi1>, vector<16x384xf32>
    %add3A_133 = arith.addf %add3A_121, %select_n3A_132 : vector<16x384xf32>
    %eq3A_134 = arith.constant 7 : i32
    %eq3A_135 = vector.broadcast %eq3A_134 : i32 to vector<16x384xi32>
    %eq3A_136 = arith.cmpi eq, %add3A_48, %eq3A_135 : vector<16x384xi32>
    %get3A_137 = arith.constant 0 : index
    %get3A_138 = arith.constant 7 : index
    %get3A_139 = vector.load %arg1[%get3A_137, %get3A_138] : memref<16x32xf32, #tpu.memory_space<vmem>>, vector<16x1xf32>
    %jit3A_140 = arith.constant 0.000000e+00 : f32
    %broadcast_in_dim3A_141 = vector.shape_cast %get3A_139 : vector<16x1xf32> to vector<16x1xf32>
    %broadcast_in_dim3A_142 = vector.broadcast %broadcast_in_dim3A_141 : vector<16x1xf32> to vector<16x384xf32>
    %broadcast_in_dim3A_143 = vector.broadcast %jit3A_140 : f32 to vector<16x384xf32>
    %select_n3A_144 = arith.select %eq3A_136, %broadcast_in_dim3A_142, %broadcast_in_dim3A_143 : vector<16x384xi1>, vector<16x384xf32>
    %add3A_145 = arith.addf %add3A_133, %select_n3A_144 : vector<16x384xf32>
    %eq3A_146 = arith.constant 8 : i32
    %eq3A_147 = vector.broadcast %eq3A_146 : i32 to vector<16x384xi32>
    %eq3A_148 = arith.cmpi eq, %add3A_48, %eq3A_147 : vector<16x384xi32>
    %get3A_149 = arith.constant 0 : index
    %get3A_150 = arith.constant 8 : index
    %get3A_151 = vector.load %arg1[%get3A_149, %get3A_150] : memref<16x32xf32, #tpu.memory_space<vmem>>, vector<16x1xf32>
    %jit3A_152 = arith.constant 0.000000e+00 : f32
    %broadcast_in_dim3A_153 = vector.shape_cast %get3A_151 : vector<16x1xf32> to vector<16x1xf32>
    %broadcast_in_dim3A_154 = vector.broadcast %broadcast_in_dim3A_153 : vector<16x1xf32> to vector<16x384xf32>
    %broadcast_in_dim3A_155 = vector.broadcast %jit3A_152 : f32 to vector<16x384xf32>
    %select_n3A_156 = arith.select %eq3A_148, %broadcast_in_dim3A_154, %broadcast_in_dim3A_155 : vector<16x384xi1>, vector<16x384xf32>
    %add3A_157 = arith.addf %add3A_145, %select_n3A_156 : vector<16x384xf32>
    %eq3A_158 = arith.constant 9 : i32
    %eq3A_159 = vector.broadcast %eq3A_158 : i32 to vector<16x384xi32>
    %eq3A_160 = arith.cmpi eq, %add3A_48, %eq3A_159 : vector<16x384xi32>
    %get3A_161 = arith.constant 0 : index
    %get3A_162 = arith.constant 9 : index
    %get3A_163 = vector.load %arg1[%get3A_161, %get3A_162] : memref<16x32xf32, #tpu.memory_space<vmem>>, vector<16x1xf32>
    %jit3A_164 = arith.constant 0.000000e+00 : f32
    %broadcast_in_dim3A_165 = vector.shape_cast %get3A_163 : vector<16x1xf32> to vector<16x1xf32>
    %broadcast_in_dim3A_166 = vector.broadcast %broadcast_in_dim3A_165 : vector<16x1xf32> to vector<16x384xf32>
    %broadcast_in_dim3A_167 = vector.broadcast %jit3A_164 : f32 to vector<16x384xf32>
    %select_n3A_168 = arith.select %eq3A_160, %broadcast_in_dim3A_166, %broadcast_in_dim3A_167 : vector<16x384xi1>, vector<16x384xf32>
    %add3A_169 = arith.addf %add3A_157, %select_n3A_168 : vector<16x384xf32>
    %eq3A_170 = arith.constant 10 : i32
    %eq3A_171 = vector.broadcast %eq3A_170 : i32 to vector<16x384xi32>
    %eq3A_172 = arith.cmpi eq, %add3A_48, %eq3A_171 : vector<16x384xi32>
    %get3A_173 = arith.constant 0 : index
    %get3A_174 = arith.constant 10 : index
    %get3A_175 = vector.load %arg1[%get3A_173, %get3A_174] : memref<16x32xf32, #tpu.memory_space<vmem>>, vector<16x1xf32>
    %jit3A_176 = arith.constant 0.000000e+00 : f32
    %broadcast_in_dim3A_177 = vector.shape_cast %get3A_175 : vector<16x1xf32> to vector<16x1xf32>
    %broadcast_in_dim3A_178 = vector.broadcast %broadcast_in_dim3A_177 : vector<16x1xf32> to vector<16x384xf32>
    %broadcast_in_dim3A_179 = vector.broadcast %jit3A_176 : f32 to vector<16x384xf32>
    %select_n3A_180 = arith.select %eq3A_172, %broadcast_in_dim3A_178, %broadcast_in_dim3A_179 : vector<16x384xi1>, vector<16x384xf32>
    %add3A_181 = arith.addf %add3A_169, %select_n3A_180 : vector<16x384xf32>
    %eq3A_182 = arith.constant 11 : i32
    %eq3A_183 = vector.broadcast %eq3A_182 : i32 to vector<16x384xi32>
    %eq3A_184 = arith.cmpi eq, %add3A_48, %eq3A_183 : vector<16x384xi32>
    %get3A_185 = arith.constant 0 : index
    %get3A_186 = arith.constant 11 : index
    %get3A_187 = vector.load %arg1[%get3A_185, %get3A_186] : memref<16x32xf32, #tpu.memory_space<vmem>>, vector<16x1xf32>
    %jit3A_188 = arith.constant 0.000000e+00 : f32
    %broadcast_in_dim3A_189 = vector.shape_cast %get3A_187 : vector<16x1xf32> to vector<16x1xf32>
    %broadcast_in_dim3A_190 = vector.broadcast %broadcast_in_dim3A_189 : vector<16x1xf32> to vector<16x384xf32>
    %broadcast_in_dim3A_191 = vector.broadcast %jit3A_188 : f32 to vector<16x384xf32>
    %select_n3A_192 = arith.select %eq3A_184, %broadcast_in_dim3A_190, %broadcast_in_dim3A_191 : vector<16x384xi1>, vector<16x384xf32>
    %add3A_193 = arith.addf %add3A_181, %select_n3A_192 : vector<16x384xf32>
    %eq3A_194 = arith.constant 12 : i32
    %eq3A_195 = vector.broadcast %eq3A_194 : i32 to vector<16x384xi32>
    %eq3A_196 = arith.cmpi eq, %add3A_48, %eq3A_195 : vector<16x384xi32>
    %get3A_197 = arith.constant 0 : index
    %get3A_198 = arith.constant 12 : index
    %get3A_199 = vector.load %arg1[%get3A_197, %get3A_198] : memref<16x32xf32, #tpu.memory_space<vmem>>, vector<16x1xf32>
    %jit3A_200 = arith.constant 0.000000e+00 : f32
    %broadcast_in_dim3A_201 = vector.shape_cast %get3A_199 : vector<16x1xf32> to vector<16x1xf32>
    %broadcast_in_dim3A_202 = vector.broadcast %broadcast_in_dim3A_201 : vector<16x1xf32> to vector<16x384xf32>
    %broadcast_in_dim3A_203 = vector.broadcast %jit3A_200 : f32 to vector<16x384xf32>
    %select_n3A_204 = arith.select %eq3A_196, %broadcast_in_dim3A_202, %broadcast_in_dim3A_203 : vector<16x384xi1>, vector<16x384xf32>
    %add3A_205 = arith.addf %add3A_193, %select_n3A_204 : vector<16x384xf32>
    %eq3A_206 = arith.constant 13 : i32
    %eq3A_207 = vector.broadcast %eq3A_206 : i32 to vector<16x384xi32>
    %eq3A_208 = arith.cmpi eq, %add3A_48, %eq3A_207 : vector<16x384xi32>
    %get3A_209 = arith.constant 0 : index
    %get3A_210 = arith.constant 13 : index
    %get3A_211 = vector.load %arg1[%get3A_209, %get3A_210] : memref<16x32xf32, #tpu.memory_space<vmem>>, vector<16x1xf32>
    %jit3A_212 = arith.constant 0.000000e+00 : f32
    %broadcast_in_dim3A_213 = vector.shape_cast %get3A_211 : vector<16x1xf32> to vector<16x1xf32>
    %broadcast_in_dim3A_214 = vector.broadcast %broadcast_in_dim3A_213 : vector<16x1xf32> to vector<16x384xf32>
    %broadcast_in_dim3A_215 = vector.broadcast %jit3A_212 : f32 to vector<16x384xf32>
    %select_n3A_216 = arith.select %eq3A_208, %broadcast_in_dim3A_214, %broadcast_in_dim3A_215 : vector<16x384xi1>, vector<16x384xf32>
    %add3A_217 = arith.addf %add3A_205, %select_n3A_216 : vector<16x384xf32>
    %eq3A_218 = arith.constant 14 : i32
    %eq3A_219 = vector.broadcast %eq3A_218 : i32 to vector<16x384xi32>
    %eq3A_220 = arith.cmpi eq, %add3A_48, %eq3A_219 : vector<16x384xi32>
    %get3A_221 = arith.constant 0 : index
    %get3A_222 = arith.constant 14 : index
    %get3A_223 = vector.load %arg1[%get3A_221, %get3A_222] : memref<16x32xf32, #tpu.memory_space<vmem>>, vector<16x1xf32>
    %jit3A_224 = arith.constant 0.000000e+00 : f32
    %broadcast_in_dim3A_225 = vector.shape_cast %get3A_223 : vector<16x1xf32> to vector<16x1xf32>
    %broadcast_in_dim3A_226 = vector.broadcast %broadcast_in_dim3A_225 : vector<16x1xf32> to vector<16x384xf32>
    %broadcast_in_dim3A_227 = vector.broadcast %jit3A_224 : f32 to vector<16x384xf32>
    %select_n3A_228 = arith.select %eq3A_220, %broadcast_in_dim3A_226, %broadcast_in_dim3A_227 : vector<16x384xi1>, vector<16x384xf32>
    %add3A_229 = arith.addf %add3A_217, %select_n3A_228 : vector<16x384xf32>
    %eq3A_230 = arith.constant 15 : i32
    %eq3A_231 = vector.broadcast %eq3A_230 : i32 to vector<16x384xi32>
    %eq3A_232 = arith.cmpi eq, %add3A_48, %eq3A_231 : vector<16x384xi32>
    %get3A_233 = arith.constant 0 : index
    %get3A_234 = arith.constant 15 : index
    %get3A_235 = vector.load %arg1[%get3A_233, %get3A_234] : memref<16x32xf32, #tpu.memory_space<vmem>>, vector<16x1xf32>
    %jit3A_236 = arith.constant 0.000000e+00 : f32
    %broadcast_in_dim3A_237 = vector.shape_cast %get3A_235 : vector<16x1xf32> to vector<16x1xf32>
    %broadcast_in_dim3A_238 = vector.broadcast %broadcast_in_dim3A_237 : vector<16x1xf32> to vector<16x384xf32>
    %broadcast_in_dim3A_239 = vector.broadcast %jit3A_236 : f32 to vector<16x384xf32>
    %select_n3A_240 = arith.select %eq3A_232, %broadcast_in_dim3A_238, %broadcast_in_dim3A_239 : vector<16x384xi1>, vector<16x384xf32>
    %add3A_241 = arith.addf %add3A_229, %select_n3A_240 : vector<16x384xf32>
    %eq3A_242 = arith.constant 16 : i32
    %eq3A_243 = vector.broadcast %eq3A_242 : i32 to vector<16x384xi32>
    %eq3A_244 = arith.cmpi eq, %add3A_48, %eq3A_243 : vector<16x384xi32>
    %get3A_245 = arith.constant 0 : index
    %get3A_246 = arith.constant 16 : index
    %get3A_247 = vector.load %arg1[%get3A_245, %get3A_246] : memref<16x32xf32, #tpu.memory_space<vmem>>, vector<16x1xf32>
    %jit3A_248 = arith.constant 0.000000e+00 : f32
    %broadcast_in_dim3A_249 = vector.shape_cast %get3A_247 : vector<16x1xf32> to vector<16x1xf32>
    %broadcast_in_dim3A_250 = vector.broadcast %broadcast_in_dim3A_249 : vector<16x1xf32> to vector<16x384xf32>
    %broadcast_in_dim3A_251 = vector.broadcast %jit3A_248 : f32 to vector<16x384xf32>
    %select_n3A_252 = arith.select %eq3A_244, %broadcast_in_dim3A_250, %broadcast_in_dim3A_251 : vector<16x384xi1>, vector<16x384xf32>
    %add3A_253 = arith.addf %add3A_241, %select_n3A_252 : vector<16x384xf32>
    %eq3A_254 = arith.constant 17 : i32
    %eq3A_255 = vector.broadcast %eq3A_254 : i32 to vector<16x384xi32>
    %eq3A_256 = arith.cmpi eq, %add3A_48, %eq3A_255 : vector<16x384xi32>
    %get3A_257 = arith.constant 0 : index
    %get3A_258 = arith.constant 17 : index
    %get3A_259 = vector.load %arg1[%get3A_257, %get3A_258] : memref<16x32xf32, #tpu.memory_space<vmem>>, vector<16x1xf32>
    %jit3A_260 = arith.constant 0.000000e+00 : f32
    %broadcast_in_dim3A_261 = vector.shape_cast %get3A_259 : vector<16x1xf32> to vector<16x1xf32>
    %broadcast_in_dim3A_262 = vector.broadcast %broadcast_in_dim3A_261 : vector<16x1xf32> to vector<16x384xf32>
    %broadcast_in_dim3A_263 = vector.broadcast %jit3A_260 : f32 to vector<16x384xf32>
    %select_n3A_264 = arith.select %eq3A_256, %broadcast_in_dim3A_262, %broadcast_in_dim3A_263 : vector<16x384xi1>, vector<16x384xf32>
    %add3A_265 = arith.addf %add3A_253, %select_n3A_264 : vector<16x384xf32>
    %eq3A_266 = arith.constant 18 : i32
    %eq3A_267 = vector.broadcast %eq3A_266 : i32 to vector<16x384xi32>
    %eq3A_268 = arith.cmpi eq, %add3A_48, %eq3A_267 : vector<16x384xi32>
    %get3A_269 = arith.constant 0 : index
    %get3A_270 = arith.constant 18 : index
    %get3A_271 = vector.load %arg1[%get3A_269, %get3A_270] : memref<16x32xf32, #tpu.memory_space<vmem>>, vector<16x1xf32>
    %jit3A_272 = arith.constant 0.000000e+00 : f32
    %broadcast_in_dim3A_273 = vector.shape_cast %get3A_271 : vector<16x1xf32> to vector<16x1xf32>
    %broadcast_in_dim3A_274 = vector.broadcast %broadcast_in_dim3A_273 : vector<16x1xf32> to vector<16x384xf32>
    %broadcast_in_dim3A_275 = vector.broadcast %jit3A_272 : f32 to vector<16x384xf32>
    %select_n3A_276 = arith.select %eq3A_268, %broadcast_in_dim3A_274, %broadcast_in_dim3A_275 : vector<16x384xi1>, vector<16x384xf32>
    %add3A_277 = arith.addf %add3A_265, %select_n3A_276 : vector<16x384xf32>
    %eq3A_278 = arith.constant 19 : i32
    %eq3A_279 = vector.broadcast %eq3A_278 : i32 to vector<16x384xi32>
    %eq3A_280 = arith.cmpi eq, %add3A_48, %eq3A_279 : vector<16x384xi32>
    %get3A_281 = arith.constant 0 : index
    %get3A_282 = arith.constant 19 : index
    %get3A_283 = vector.load %arg1[%get3A_281, %get3A_282] : memref<16x32xf32, #tpu.memory_space<vmem>>, vector<16x1xf32>
    %jit3A_284 = arith.constant 0.000000e+00 : f32
    %broadcast_in_dim3A_285 = vector.shape_cast %get3A_283 : vector<16x1xf32> to vector<16x1xf32>
    %broadcast_in_dim3A_286 = vector.broadcast %broadcast_in_dim3A_285 : vector<16x1xf32> to vector<16x384xf32>
    %broadcast_in_dim3A_287 = vector.broadcast %jit3A_284 : f32 to vector<16x384xf32>
    %select_n3A_288 = arith.select %eq3A_280, %broadcast_in_dim3A_286, %broadcast_in_dim3A_287 : vector<16x384xi1>, vector<16x384xf32>
    %add3A_289 = arith.addf %add3A_277, %select_n3A_288 : vector<16x384xf32>
    %eq3A_290 = arith.constant 20 : i32
    %eq3A_291 = vector.broadcast %eq3A_290 : i32 to vector<16x384xi32>
    %eq3A_292 = arith.cmpi eq, %add3A_48, %eq3A_291 : vector<16x384xi32>
    %get3A_293 = arith.constant 0 : index
    %get3A_294 = arith.constant 20 : index
    %get3A_295 = vector.load %arg1[%get3A_293, %get3A_294] : memref<16x32xf32, #tpu.memory_space<vmem>>, vector<16x1xf32>
    %jit3A_296 = arith.constant 0.000000e+00 : f32
    %broadcast_in_dim3A_297 = vector.shape_cast %get3A_295 : vector<16x1xf32> to vector<16x1xf32>
    %broadcast_in_dim3A_298 = vector.broadcast %broadcast_in_dim3A_297 : vector<16x1xf32> to vector<16x384xf32>
    %broadcast_in_dim3A_299 = vector.broadcast %jit3A_296 : f32 to vector<16x384xf32>
    %select_n3A_300 = arith.select %eq3A_292, %broadcast_in_dim3A_298, %broadcast_in_dim3A_299 : vector<16x384xi1>, vector<16x384xf32>
    %add3A_301 = arith.addf %add3A_289, %select_n3A_300 : vector<16x384xf32>
    %eq3A_302 = arith.constant 21 : i32
    %eq3A_303 = vector.broadcast %eq3A_302 : i32 to vector<16x384xi32>
    %eq3A_304 = arith.cmpi eq, %add3A_48, %eq3A_303 : vector<16x384xi32>
    %get3A_305 = arith.constant 0 : index
    %get3A_306 = arith.constant 21 : index
    %get3A_307 = vector.load %arg1[%get3A_305, %get3A_306] : memref<16x32xf32, #tpu.memory_space<vmem>>, vector<16x1xf32>
    %jit3A_308 = arith.constant 0.000000e+00 : f32
    %broadcast_in_dim3A_309 = vector.shape_cast %get3A_307 : vector<16x1xf32> to vector<16x1xf32>
    %broadcast_in_dim3A_310 = vector.broadcast %broadcast_in_dim3A_309 : vector<16x1xf32> to vector<16x384xf32>
    %broadcast_in_dim3A_311 = vector.broadcast %jit3A_308 : f32 to vector<16x384xf32>
    %select_n3A_312 = arith.select %eq3A_304, %broadcast_in_dim3A_310, %broadcast_in_dim3A_311 : vector<16x384xi1>, vector<16x384xf32>
    %add3A_313 = arith.addf %add3A_301, %select_n3A_312 : vector<16x384xf32>
    %eq3A_314 = arith.constant 22 : i32
    %eq3A_315 = vector.broadcast %eq3A_314 : i32 to vector<16x384xi32>
    %eq3A_316 = arith.cmpi eq, %add3A_48, %eq3A_315 : vector<16x384xi32>
    %get3A_317 = arith.constant 0 : index
    %get3A_318 = arith.constant 22 : index
    %get3A_319 = vector.load %arg1[%get3A_317, %get3A_318] : memref<16x32xf32, #tpu.memory_space<vmem>>, vector<16x1xf32>
    %jit3A_320 = arith.constant 0.000000e+00 : f32
    %broadcast_in_dim3A_321 = vector.shape_cast %get3A_319 : vector<16x1xf32> to vector<16x1xf32>
    %broadcast_in_dim3A_322 = vector.broadcast %broadcast_in_dim3A_321 : vector<16x1xf32> to vector<16x384xf32>
    %broadcast_in_dim3A_323 = vector.broadcast %jit3A_320 : f32 to vector<16x384xf32>
    %select_n3A_324 = arith.select %eq3A_316, %broadcast_in_dim3A_322, %broadcast_in_dim3A_323 : vector<16x384xi1>, vector<16x384xf32>
    %add3A_325 = arith.addf %add3A_313, %select_n3A_324 : vector<16x384xf32>
    %eq3A_326 = arith.constant 23 : i32
    %eq3A_327 = vector.broadcast %eq3A_326 : i32 to vector<16x384xi32>
    %eq3A_328 = arith.cmpi eq, %add3A_48, %eq3A_327 : vector<16x384xi32>
    %get3A_329 = arith.constant 0 : index
    %get3A_330 = arith.constant 23 : index
    %get3A_331 = vector.load %arg1[%get3A_329, %get3A_330] : memref<16x32xf32, #tpu.memory_space<vmem>>, vector<16x1xf32>
    %jit3A_332 = arith.constant 0.000000e+00 : f32
    %broadcast_in_dim3A_333 = vector.shape_cast %get3A_331 : vector<16x1xf32> to vector<16x1xf32>
    %broadcast_in_dim3A_334 = vector.broadcast %broadcast_in_dim3A_333 : vector<16x1xf32> to vector<16x384xf32>
    %broadcast_in_dim3A_335 = vector.broadcast %jit3A_332 : f32 to vector<16x384xf32>
    %select_n3A_336 = arith.select %eq3A_328, %broadcast_in_dim3A_334, %broadcast_in_dim3A_335 : vector<16x384xi1>, vector<16x384xf32>
    %add3A_337 = arith.addf %add3A_325, %select_n3A_336 : vector<16x384xf32>
    %eq3A_338 = arith.constant 24 : i32
    %eq3A_339 = vector.broadcast %eq3A_338 : i32 to vector<16x384xi32>
    %eq3A_340 = arith.cmpi eq, %add3A_48, %eq3A_339 : vector<16x384xi32>
    %get3A_341 = arith.constant 0 : index
    %get3A_342 = arith.constant 24 : index
    %get3A_343 = vector.load %arg1[%get3A_341, %get3A_342] : memref<16x32xf32, #tpu.memory_space<vmem>>, vector<16x1xf32>
    %jit3A_344 = arith.constant 0.000000e+00 : f32
    %broadcast_in_dim3A_345 = vector.shape_cast %get3A_343 : vector<16x1xf32> to vector<16x1xf32>
    %broadcast_in_dim3A_346 = vector.broadcast %broadcast_in_dim3A_345 : vector<16x1xf32> to vector<16x384xf32>
    %broadcast_in_dim3A_347 = vector.broadcast %jit3A_344 : f32 to vector<16x384xf32>
    %select_n3A_348 = arith.select %eq3A_340, %broadcast_in_dim3A_346, %broadcast_in_dim3A_347 : vector<16x384xi1>, vector<16x384xf32>
    %add3A_349 = arith.addf %add3A_337, %select_n3A_348 : vector<16x384xf32>
    %eq3A_350 = arith.constant 25 : i32
    %eq3A_351 = vector.broadcast %eq3A_350 : i32 to vector<16x384xi32>
    %eq3A_352 = arith.cmpi eq, %add3A_48, %eq3A_351 : vector<16x384xi32>
    %get3A_353 = arith.constant 0 : index
    %get3A_354 = arith.constant 25 : index
    %get3A_355 = vector.load %arg1[%get3A_353, %get3A_354] : memref<16x32xf32, #tpu.memory_space<vmem>>, vector<16x1xf32>
    %jit3A_356 = arith.constant 0.000000e+00 : f32
    %broadcast_in_dim3A_357 = vector.shape_cast %get3A_355 : vector<16x1xf32> to vector<16x1xf32>
    %broadcast_in_dim3A_358 = vector.broadcast %broadcast_in_dim3A_357 : vector<16x1xf32> to vector<16x384xf32>
    %broadcast_in_dim3A_359 = vector.broadcast %jit3A_356 : f32 to vector<16x384xf32>
    %select_n3A_360 = arith.select %eq3A_352, %broadcast_in_dim3A_358, %broadcast_in_dim3A_359 : vector<16x384xi1>, vector<16x384xf32>
    %add3A_361 = arith.addf %add3A_349, %select_n3A_360 : vector<16x384xf32>
    %eq3A_362 = arith.constant 26 : i32
    %eq3A_363 = vector.broadcast %eq3A_362 : i32 to vector<16x384xi32>
    %eq3A_364 = arith.cmpi eq, %add3A_48, %eq3A_363 : vector<16x384xi32>
    %get3A_365 = arith.constant 0 : index
    %get3A_366 = arith.constant 26 : index
    %get3A_367 = vector.load %arg1[%get3A_365, %get3A_366] : memref<16x32xf32, #tpu.memory_space<vmem>>, vector<16x1xf32>
    %jit3A_368 = arith.constant 0.000000e+00 : f32
    %broadcast_in_dim3A_369 = vector.shape_cast %get3A_367 : vector<16x1xf32> to vector<16x1xf32>
    %broadcast_in_dim3A_370 = vector.broadcast %broadcast_in_dim3A_369 : vector<16x1xf32> to vector<16x384xf32>
    %broadcast_in_dim3A_371 = vector.broadcast %jit3A_368 : f32 to vector<16x384xf32>
    %select_n3A_372 = arith.select %eq3A_364, %broadcast_in_dim3A_370, %broadcast_in_dim3A_371 : vector<16x384xi1>, vector<16x384xf32>
    %add3A_373 = arith.addf %add3A_361, %select_n3A_372 : vector<16x384xf32>
    %eq3A_374 = arith.constant 27 : i32
    %eq3A_375 = vector.broadcast %eq3A_374 : i32 to vector<16x384xi32>
    %eq3A_376 = arith.cmpi eq, %add3A_48, %eq3A_375 : vector<16x384xi32>
    %get3A_377 = arith.constant 0 : index
    %get3A_378 = arith.constant 27 : index
    %get3A_379 = vector.load %arg1[%get3A_377, %get3A_378] : memref<16x32xf32, #tpu.memory_space<vmem>>, vector<16x1xf32>
    %jit3A_380 = arith.constant 0.000000e+00 : f32
    %broadcast_in_dim3A_381 = vector.shape_cast %get3A_379 : vector<16x1xf32> to vector<16x1xf32>
    %broadcast_in_dim3A_382 = vector.broadcast %broadcast_in_dim3A_381 : vector<16x1xf32> to vector<16x384xf32>
    %broadcast_in_dim3A_383 = vector.broadcast %jit3A_380 : f32 to vector<16x384xf32>
    %select_n3A_384 = arith.select %eq3A_376, %broadcast_in_dim3A_382, %broadcast_in_dim3A_383 : vector<16x384xi1>, vector<16x384xf32>
    %add3A_385 = arith.addf %add3A_373, %select_n3A_384 : vector<16x384xf32>
    %eq3A_386 = arith.constant 28 : i32
    %eq3A_387 = vector.broadcast %eq3A_386 : i32 to vector<16x384xi32>
    %eq3A_388 = arith.cmpi eq, %add3A_48, %eq3A_387 : vector<16x384xi32>
    %get3A_389 = arith.constant 0 : index
    %get3A_390 = arith.constant 28 : index
    %get3A_391 = vector.load %arg1[%get3A_389, %get3A_390] : memref<16x32xf32, #tpu.memory_space<vmem>>, vector<16x1xf32>
    %jit3A_392 = arith.constant 0.000000e+00 : f32
    %broadcast_in_dim3A_393 = vector.shape_cast %get3A_391 : vector<16x1xf32> to vector<16x1xf32>
    %broadcast_in_dim3A_394 = vector.broadcast %broadcast_in_dim3A_393 : vector<16x1xf32> to vector<16x384xf32>
    %broadcast_in_dim3A_395 = vector.broadcast %jit3A_392 : f32 to vector<16x384xf32>
    %select_n3A_396 = arith.select %eq3A_388, %broadcast_in_dim3A_394, %broadcast_in_dim3A_395 : vector<16x384xi1>, vector<16x384xf32>
    %add3A_397 = arith.addf %add3A_385, %select_n3A_396 : vector<16x384xf32>
    %eq3A_398 = arith.constant 29 : i32
    %eq3A_399 = vector.broadcast %eq3A_398 : i32 to vector<16x384xi32>
    %eq3A_400 = arith.cmpi eq, %add3A_48, %eq3A_399 : vector<16x384xi32>
    %get3A_401 = arith.constant 0 : index
    %get3A_402 = arith.constant 29 : index
    %get3A_403 = vector.load %arg1[%get3A_401, %get3A_402] : memref<16x32xf32, #tpu.memory_space<vmem>>, vector<16x1xf32>
    %jit3A_404 = arith.constant 0.000000e+00 : f32
    %broadcast_in_dim3A_405 = vector.shape_cast %get3A_403 : vector<16x1xf32> to vector<16x1xf32>
    %broadcast_in_dim3A_406 = vector.broadcast %broadcast_in_dim3A_405 : vector<16x1xf32> to vector<16x384xf32>
    %broadcast_in_dim3A_407 = vector.broadcast %jit3A_404 : f32 to vector<16x384xf32>
    %select_n3A_408 = arith.select %eq3A_400, %broadcast_in_dim3A_406, %broadcast_in_dim3A_407 : vector<16x384xi1>, vector<16x384xf32>
    %add3A_409 = arith.addf %add3A_397, %select_n3A_408 : vector<16x384xf32>
    %eq3A_410 = arith.constant 30 : i32
    %eq3A_411 = vector.broadcast %eq3A_410 : i32 to vector<16x384xi32>
    %eq3A_412 = arith.cmpi eq, %add3A_48, %eq3A_411 : vector<16x384xi32>
    %get3A_413 = arith.constant 0 : index
    %get3A_414 = arith.constant 30 : index
    %get3A_415 = vector.load %arg1[%get3A_413, %get3A_414] : memref<16x32xf32, #tpu.memory_space<vmem>>, vector<16x1xf32>
    %jit3A_416 = arith.constant 0.000000e+00 : f32
    %broadcast_in_dim3A_417 = vector.shape_cast %get3A_415 : vector<16x1xf32> to vector<16x1xf32>
    %broadcast_in_dim3A_418 = vector.broadcast %broadcast_in_dim3A_417 : vector<16x1xf32> to vector<16x384xf32>
    %broadcast_in_dim3A_419 = vector.broadcast %jit3A_416 : f32 to vector<16x384xf32>
    %select_n3A_420 = arith.select %eq3A_412, %broadcast_in_dim3A_418, %broadcast_in_dim3A_419 : vector<16x384xi1>, vector<16x384xf32>
    %add3A_421 = arith.addf %add3A_409, %select_n3A_420 : vector<16x384xf32>
    %eq3A_422 = arith.constant 31 : i32
    %eq3A_423 = vector.broadcast %eq3A_422 : i32 to vector<16x384xi32>
    %eq3A_424 = arith.cmpi eq, %add3A_48, %eq3A_423 : vector<16x384xi32>
    %get3A_425 = arith.constant 0 : index
    %get3A_426 = arith.constant 31 : index
    %get3A_427 = vector.load %arg1[%get3A_425, %get3A_426] : memref<16x32xf32, #tpu.memory_space<vmem>>, vector<16x1xf32>
    %jit3A_428 = arith.constant 0.000000e+00 : f32
    %broadcast_in_dim3A_429 = vector.shape_cast %get3A_427 : vector<16x1xf32> to vector<16x1xf32>
    %broadcast_in_dim3A_430 = vector.broadcast %broadcast_in_dim3A_429 : vector<16x1xf32> to vector<16x384xf32>
    %broadcast_in_dim3A_431 = vector.broadcast %jit3A_428 : f32 to vector<16x384xf32>
    %select_n3A_432 = arith.select %eq3A_424, %broadcast_in_dim3A_430, %broadcast_in_dim3A_431 : vector<16x384xi1>, vector<16x384xf32>
    %add3A_433 = arith.addf %add3A_421, %select_n3A_432 : vector<16x384xf32>
    %swap3A_434 = arith.constant 0 : index
    %swap3A_435 = arith.constant 0 : index
    %swap3A_436 = arith.constant 1920 : index
    %swap3A_437 = vector.load %arg2[%swap3A_434, %swap3A_435, %swap3A_436] : memref<1x16x4480xf32, #tpu.memory_space<vmem>>, vector<1x16x384xf32>
    %swap3A_438 = vector.shape_cast %swap3A_437 : vector<1x16x384xf32> to vector<16x384xf32>
    %swap3A_439 = vector.shape_cast %add3A_433 : vector<16x384xf32> to vector<1x16x384xf32>
    tpu.vector_store %arg2[%swap3A_434, %swap3A_435, %swap3A_436], %swap3A_439 {strides = array<i32>} : memref<1x16x4480xf32, #tpu.memory_space<vmem>>, vector<1x16x384xf32>,
    return
  }
  func.func @transform_0(%arg0: i32) -> (i32, i32) {
    %c0_i32 = arith.constant 0 : i32
    %c0_i32_0 = arith.constant 0 : i32
    %c0_i32_1 = arith.constant 0 : i32
    return %c0_i32, %c0_i32_0 : i32, i32
  }
  func.func @transform_1(%arg0: i32) -> (i32, i32, i32) {
    %c0_i32 = arith.constant 0 : i32
    %c0_i32_0 = arith.constant 0 : i32
    %c0_i32_1 = arith.constant 0 : i32
    return %arg0, %c0_i32, %c0_i32_0 : i32, i32, i32
  }
}

</mosaic_0001>

<sc_bundles>
// kernel: kernel.4.cloned.1.call-start
scs
__scs_entry_jumppad:
0x0: {  	(pc) =	sbr.rel $0x88, $3  }
0x1: {  	(tag) =	ssettag $0x0;
	lr =	simm.s32 $0x1  }
0x2: {  	[smem:$0x3FA0] =	sst lr;
	_ =	strace $0xD0000000  }
0x3: {  	_ = 	snop  }
0x4: {  	_ = 	snop  }
0x5: {  	_ = 	snop  }
0x6: {  	_ = 	snop  }
0x7: {  	_ = 	snop  }
__scs_overlays_trampoline_lowered:
0x8: {  	[smem:$0x3FAF] =	sst s0  }
0x9: {  	[smem:$0x3FB0] =	sst s1  }
0xa: {  	[smem:$0x3FB1] =	sst s2  }
0xb: {  	[smem:$0x3FB2] =	sst s3  }
0xc: {  	[smem:$0x3FB3] =	sst s4  }
0xd: {  	[smem:$0x3FB4] =	sst s5  }
0xe: {  	[smem:$0x3FB5] =	sst s6  }
0xf: {  	[smem:$0x3FB6] =	sst s7  }
0x10: {  	[smem:$0x3FB7] =	sst s8  }
0x11: {  	[smem:$0x3FB8] =	sst s9;
	s0 =	simm.s32 @!p0 $0x0  }
0x12: {  	s1 =	sld [smem:$0x3F9E];
	s0 =	simm.s32 @p0 $0x1  }
0x13: {  	[smem:$0x3FB9] =	sst s0;
	s0 =	simm.s32 @!p1 $0x0  }
0x14: {  	s2 =	sld [smem:$0x3F9D];
	s0 =	simm.s32 @p1 $0x1  }
0x15: {  	[smem:$0x3FBA] =	sst s0;
	s0 =	simm.s32 @!p2 $0x0  }
0x16: {  	s3 =	sld [smem:$0x3FDB];
	s0 =	simm.s32 @p2 $0x1  }
0x17: {  	s4 =	simm.s32 $0x1BF5;
	[smem:$0x3FBC] =	sst s0  }
0x18: {  	s0 =	sld [smem:$0x3F9F];
	_ =	swait.ge [sflag:s4], $0x0  }
0x19: {  	s7 =	sld [smem:$0x3FA0]  }
0x1a: {  	s8 =	sadd.s32 $0xFFFFE003, lr  }
0x1b: {  	s9 =	sadd.s32 $0xFFFFFEF7, lr;
	s5 =	simm.s32 $0xFFFFFFFF;
	p2 =	slt.u32 s8, $0xFFFFF086  }
0x1c: {  	p1 =	slt.u32 s9, $0xF7A;
	s5 =	simm.s32 @!p2 $0x0  }
0x1d: {  	s5 =	simm.s32 @p1 $0x1;
	p0 =	seq.s32 s7, s2  }
0x1e: {  	s7 =	smul.u32 @!p0 $0xF7A, s2;
	p2 =	seq.s32 @!p0 s5, $0x0  }
0x1f: {  	s9 =	smul.u32 $0xF7A, s1;
	s8 =	simm.s32 @!p0 $0x1BF5;
	p2 =	por !p2, p0  }
0x20: {  	[sflag:s8] =	ssyncset.s32 @!p0 $0xFFFFF086;
	s6 =	sadd.s32 @!p0 s3, s7;
	s7 =	simm.s32 @!p0 $0x108  }
0x21: {  	s3 =	sadd.s32 s3, s9;
	s6 =	sadd.s32 @!p0 $0x88, s6;
	s7 =	simm.s32 @p2 $0x1082  }
0x22: {  	[simem:s7], [sflag:s8] =	dma.local @!p0 [hbm:s6], $0xF7A  }
0x23: {  	s9 =	sor.u32 $0xD0000000, s2;
	s6 =	simm.s32 $0x108;
	_ =	swait.ge @!p0 [sflag:s8], $0x0  }
0x24: {  	s3 =	sadd.s32 $0x88, s3;
	s6 =	simm.s32 @!p1 $0x1082;
	[sflag:s4] =	ssyncset.s32 $0xFFFFF086  }
0x25: {  	[simem:s6], [sflag:s4] =	dma.local [hbm:s3], $0xF7A  }
0x26: {  	[smem:$0x3FA0] =	sst s1;
	(tag) =	ssettag s2;
	_ =	strace s9  }
0x27: {  	s1 =	sld [smem:$0x3FB0]  }
0x28: {  	s2 =	sld [smem:$0x3FB1]  }
0x29: {  	s4 =	sld [smem:$0x3FB3]  }
0x2a: {  	p0 =	seq.s32 s5, $0x0;
	s5 =	sld [smem:$0x3FB4]  }
0x2b: {  	s6 =	sld [smem:$0x3FB5]  }
0x2c: {  	s7 =	sld [smem:$0x3FB6]  }
0x2d: {  	s3 =	simm.s32 $0x108;
	s8 =	sld [smem:$0x3FB7]  }
0x2e: {  	s3 =	simm.s32 @!p0 $0x1082;
	s9 =	sld [smem:$0x3FB8]  }
0x2f: {  	lr =	sadd.s32 s0, s3;
	s0 =	sld [smem:$0x3FAF]  }
0x30: {  	s3 =	sld [smem:$0x3FB2]  }
0x31: {  	[smem:$0x3FBB] =	sst s10  }
0x32: {  	s10 =	sld [smem:$0x3FB9];
	_ =	sdelay $0x3  }
0x33: {  	p0 =	seq.s32 s10, $0x1;
	s10 =	sld [smem:$0x3FBB];
	_ =	sdelay $0x3  }
0x34: {  	[smem:$0x3FBB] =	sst s10  }
0x35: {  	s10 =	sld [smem:$0x3FBA];
	_ =	sdelay $0x3  }
0x36: {  	p1 =	seq.s32 s10, $0x1;
	s10 =	sld [smem:$0x3FBB];
	_ =	sdelay $0x3  }
0x37: {  	[smem:$0x3FBB] =	sst s10  }
0x38: {  	s10 =	sld [smem:$0x3FBC]  }
0x39: {  	_ = 	snop;
	(pc) =	sbr.ind lr, $3  }
0x3a: {  	_ = 	snop  }
0x3b: {  	_ = 	snop  }
0x3c: {  	p2 =	seq.s32 s10, $0x1;
	s10 =	sld [smem:$0x3FBB]  }
0x3d: {  	_ =	shalt  }
0x3e: {  	_ =	shalt  }
0x3f: {  	_ =	shalt  }
0x40: {  	_ =	shalt  }
0x41: {  	_ =	shalt  }
0x42: {  	_ =	shalt  }
0x43: {  	_ =	shalt  }
0x44: {  	_ =	shalt  }
0x45: {  	_ =	shalt  }
0x46: {  	_ =	shalt  }
0x47: {  	_ =	shalt  }
0x48: {  	_ =	shalt  }
0x49: {  	_ =	shalt  }
0x4a: {  	_ =	shalt  }
0x4b: {  	_ =	shalt  }
0x4c: {  	_ =	shalt  }
0x4d: {  	_ =	shalt  }
0x4e: {  	_ =	shalt  }
0x4f: {  	_ =	shalt  }
0x50: {  	_ =	shalt  }
0x51: {  	_ =	shalt  }
0x52: {  	_ =	shalt  }
0x53: {  	_ =	shalt  }
0x54: {  	_ =	shalt  }
0x55: {  	_ =	shalt  }
0x56: {  	_ =	shalt  }
0x57: {  	_ =	shalt  }
0x58: {  	_ =	shalt  }
0x59: {  	_ =	shalt  }
0x5a: {  	_ =	shalt  }
0x5b: {  	_ =	shalt  }
0x5c: {  	_ =	shalt  }
0x5d: {  	_ =	shalt  }
0x5e: {  	_ =	shalt  }
0x5f: {  	_ =	shalt  }
0x60: {  	_ =	shalt  }
0x61: {  	_ =	shalt  }
0x62: {  	_ =	shalt  }
0x63: {  	_ =	shalt  }
0x64: {  	_ =	shalt  }
0x65: {  	_ =	shalt  }
0x66: {  	_ =	shalt  }
0x67: {  	_ =	shalt  }
0x68: {  	_ =	shalt  }
0x69: {  	_ =	shalt  }
0x6a: {  	_ =	shalt  }
0x6b: {  	_ =	shalt  }
0x6c: {  	_ =	shalt  }
0x6d: {  	_ =	shalt  }
0x6e: {  	_ =	shalt  }
0x6f: {  	_ =	shalt  }
0x70: {  	_ =	shalt  }
0x71: {  	_ =	shalt  }
0x72: {  	_ =	shalt  }
0x73: {  	_ =	shalt  }
0x74: {  	_ =	shalt  }
0x75: {  	_ =	shalt  }
0x76: {  	_ =	shalt  }
0x77: {  	_ =	shalt  }
0x78: {  	_ =	shalt  }
0x79: {  	_ =	shalt  }
0x7a: {  	_ =	shalt  }
0x7b: {  	_ =	shalt  }
0x7c: {  	_ =	shalt  }
0x7d: {  	_ =	shalt  }
0x7e: {  	_ =	shalt  }
0x7f: {  	_ =	shalt  }
0x80: {  	_ =	shalt  }
0x81: {  	_ =	shalt  }
0x82: {  	_ =	shalt  }
0x83: {  	_ =	shalt  }
0x84: {  	_ =	shalt  }
0x85: {  	_ =	shalt  }
0x86: {  	_ =	shalt  }
0x87: {  	_ =	shalt  }
.Lfunc_end0:
.L_simem_size_0:
called_computation_lowered:
.L_overlay_start_0:
0x88: {  	s2 =	sld [smem:$0x3FD9]  }
0x89: {  	s3 =	sld [smem:$0x3FFE];
	_ =	sdelay $0x1  }
0x8a: {  	s1 =	srdreg.scid  }
0x8b: {  	s0 =	sand.u32 $0x1, s1  }
0x8c: {  	s17 =	sshll.u32 s0, $0xA;
	s2 =	sadd.s32 s3, s2  }
0x8d: {  	s2 =	sadd.s32 s2, s17  }
0x8e: {  	[smem:$0x3FC7] =	sst s2  }
0x8f: {  	_ = 	snop  }
0x90: {  	s2 =	sld [smem:$0x3FD0];
	(tm) =	ssettm $0x1  }
0x91: {  	s18 =	sld [smem:$0x3FFB];
	_ =	sdelay $0x3  }
0x92: {  	_ =	strace s18  }
0x93: {  	s3 =	sld [smem:$0x3FFC];
	_ =	sdelay $0x3  }
0x94: {  	_ =	strace s3  }
0x95: {  	s3 =	sld [smem:$0x3FFD];
	_ =	sdelay $0x3  }
0x96: {  	_ =	strace s3  }
0x97: {  	_ =	strace $0x8FFFFFFF  }
0x98: {  	s19 =	sld [smem:$0x3FDB];
	_ =	sdelay $0x1  }
0x99: {  	s4 =	simm.s32 $_scs_section_size  }
0x9a: {  	s5 =	simm.s32 $_size__tile_overlayer_lowered;
	s6 =	simm.s32 $_tile_overlayer_lowered  }
0x9b: {  	s22 =	simm.s32 $0x1BFF;
	s21 =	sshll.u32 s6, $0x1;
	s3 =	sadd.s32 s4, s19  }
0x9c: {  	s7 =	simm.s32 $0x0;
	s20 =	sshll.u32 s5, $0x1;
	s5 =	sadd.s32 s21, s3  }
0x9d: {  	[timem:s7], [sflag:s22] =	dma.local [hbm:s5], s20  }
0x9e: {  	_ =	swait.ge [sflag:s22], s20  }
0x9f: {  	s4 =	ssub.s32 $0x0, s20;
	[sflag:s22] =	ssyncset.done $0x0  }
0xa0: {  	[sflag:s22] =	ssyncadd.s32 s4;
	_ =	sdelay $0x1  }
0xa1: {  	s23 =	simm.s32 $0x1B8B  }
0xa2: {  	_ =	swait.ge [sflag:s23], $0x1  }
0xa3: {  	[sflag:s23] =	ssyncset.done $0x0  }
0xa4: {  	s25 =	simm.s32 $0x1B8E;
	s24 =	sld [smem:$0x3FFE];
	[sflag:s23] =	ssyncadd.s32 $0xFFFFFFFF  }
0xa5: {  	s26 =	simm.s32 $execute0_lowered;
	[smem:$0x3FD2] =	sst s25  }
0xa6: {  	s5 =	sshll.u32 s26, $0x1;
	_ =	strace $0x80000046;
	[dreg:$0x1] =	wrdreg $0xFFFFFFFF  }
0xa7: {  	s28 =	simm.s32 $_size_execute0_lowered;
	s3 =	sadd.s32 s3, s5;
	[dreg:$0x0] =	wrdreg $0x0  }
0xa8: {  	s5 =	sshll.u32 s28, $0x1;
	[dreg:$0x2] =	wrdreg s3  }
0xa9: {  	[dreg:$0x3] =	wrdreg s5  }
0xaa: {  	[dreg:$0x4] =	wrdreg $0xC0  }
0xab: {  	_ =	task [dreg:s7], $0x5FFFF  }
0xac: {  	[dreg:$0x1] =	wrdreg $0xFFFFFFFF  }
0xad: {  	[dreg:$0x0] =	wrdreg $0x60  }
0xae: {  	[dreg:$0x2] =	wrdreg s24  }
0xaf: {  	[dreg:$0x3] =	wrdreg s2  }
0xb0: {  	[dreg:$0x4] =	wrdreg $0x9  }
0xb1: {  	_ =	task.clear_ibuf [dreg:s7], $0x5FFFF;
	_ =	strace $0x90000046  }
0xb2: {  	s29 =	simm.s32 $0x9;
	_ =	strace $0x80000048  }
0xb3: {  	_ =	swait.ge [sflag:s29], $0x1  }
0xb4: {  	[sflag:s29] =	ssyncadd.s32 $0xFFFFFFFF  }
0xb5: {  	_ =	strace $0x90000048  }
0xb6: {  	_ =	sfence  }
0xb7: {  	s30 =	sld [smem:$0x0];
	_ =	sdelay $0x2  }
0xb8: {  	s31 =	sshll.u32 s1, $0xD;
	s1 =	sshrl.u32 s1, $0x2  }
0xb9: {  	s3 =	sand.u32 $0x4000, s31;
	s1 =	sadd.s32 s1, s30  }
0xba: {  	s0 =	sor.u32 s3, s0;
	s1 =	sshll.u32 s1, $0x11  }
0xbb: {  	s0 =	sor.u32 s1, s0  }
0xbc: {  	s0 =	sadd.s32 $0x8F2B, s0  }
0xbd: {  	[sflag:s0] =	ssyncadd.remote.s32 $0x1  }
0xbe: {  	_ =	sfence.sel $0xFFFF  }
0xbf: {  	[dreg:$0x0] =	wrdreg $0xFFFFFFFF;
	(pc) =	sbr.abs _section_cstart, $3  }
0xc0: {  	[dreg:$0x1] =	wrdreg $0xFFFFFFFF  }
0xc1: {  	_ =	task.clear_ibuf [dreg:s7], $0x2FFFF;
	_ =	strace $0x9FFFFFFF  }
0xc2: {  	(tm) =	ssettm $0x7FFFFFFF  }
0xc3: {  	_ =	shalt  }
tec
execute0_lowered:
.L_overlay_start_1:
0x0: {  	(tag) =	ssettag $0x1  }
0x1: {  	s1 =	srdreg.scid  }
0x2: {  	s0 =	stileid.u32;
	s4 =	rddreg [dreg:$0x0]  }
0x3: {  	s2 =	rddreg [dreg:$0x1];
	s3 =	simm.s32 $0x0;
	s9 =	sand.u32 $0x1, s1  }
0x4: {  	s14 =	simm.s32 $0xC000;
	s15 =	simm.s32 $0x12000;
	s1 =	sor.u32 s9, s0  }
0x5: {  	s16 =	simm.s32 $0x2;
	p1 =	seq.s32 s9, $0x1;
	p0 =	seq.s32 s1, $0x0  }
0x6: {  	s17 =	simm.s32 $0x0;
	[smem:$0x7FF] =	sst s3;
	p0 =	por !p0, !p1  }
0x7: {  	s8 =	sadd.s32 $0x600, s4;
	s1 =	simm.s32 $0x1;
	p0 =	por !p0, !p0  }
0x8: {  	s4 =	simm.s32 $0x1;
	s7 =	ssub.s32 $0x2, s9;
	s1 =	simm.s32 @!p0 $0x0  }
0x9: {  	s6 =	sshll.u32 s9, $0xA;
	s29 =	sshrl.u32 s7, $0x1;
	s10 =	ssub.s32 s0, s1  }
0xa: {  	s9 =	sshll.u32 s9, $0x15;
	s11 =	ssub.s32 s7, s29;
	s5 =	smul.u32 $0x1180, s10  }
0xb: {  	s1 =	rddreg [dreg:$0x2];
	_ =	strace $0x80000047;
	s10 =	sshll.u32 s10, $0x16  }
0xc: {  	s9 =	sor.u32 s10, s9;
	s10 =	smax.u32 s11, $0x1;
	s6 =	ssub.s32 s5, s6  }
0xd: {  	s11 =	simm.s32 $0xC00;
	s5 =	sadd.s32 $0x400, s6;
	s30 =	sadd.s32 $0x480, s6  }
0xe: {  	s12 =	sadd.s32 $0x500, s6;
	s13 =	sadd.s32 $0x580, s6;
	s5 =	sshrl.u32 s5, $0x3  }
0xf: {  	s7 =	sshrl.u32 s30, $0x3;
	s12 =	sshrl.u32 s12, $0x3;
	s31 =	sshrl.u32 s13, $0x3  }
0x10: {  	s13 =	simm.s32 $0x6000;
	s5 =	sadd.s32 s8, s5;
	s6 =	sadd.s32 s8, s7  }
0x11: {  	s7 =	sadd.s32 s8, s12;
	s8 =	sadd.s32 s8, s31;
	s12 =	simm.s32 $0x11800  }
.LBB2_1:
0x12: {  	[tilespmem:s3], [sflag:$0x1] =	stream.strided.gather [hbm4b:s5+s11], $0x6000, s12, s11, $0x38;
	[tilespmem:$0x18000] =	vst v63  }
0x13: {  	_ = 	snop  }
0x14: {  	[tilespmem:s13], [sflag:$0x1] =	stream.strided.gather [hbm4b:s6+s11], $0x6000, s12, s11, $0x38;
	[tilespmem:$0x18000] =	vst v63  }
0x15: {  	_ = 	snop  }
0x16: {  	[tilespmem:s14], [sflag:$0x1] =	stream.strided.gather [hbm4b:s7+s11], $0x6000, s12, s11, $0x38;
	[tilespmem:$0x18000] =	vst v63  }
0x17: {  	_ = 	snop  }
0x18: {  	[tilespmem:s15], [sflag:$0x1] =	stream.strided.gather [hbm4b:s8+s11], $0x6000, s12, s11, $0x38;
	[tilespmem:$0x18000] =	vst v63  }
0x19: {  	_ =	swait.ge [sflag:s4], $0x6000  }
0x1a: {  	[sflag:s4] =	ssyncset.done $0x0  }
0x1b: {  	[sflag:s4] =	ssyncadd.s32 $0xFFFFA000  }
0x1c: {  	_ =	swait.ge [sflag:s4], $0x6000  }
0x1d: {  	[sflag:s4] =	ssyncset.done $0x0  }
0x1e: {  	[sflag:s4] =	ssyncadd.s32 $0xFFFFA000  }
0x1f: {  	_ =	swait.ge [sflag:s4], $0x6000  }
0x20: {  	[sflag:s4] =	ssyncset.done $0x0  }
0x21: {  	[sflag:s4] =	ssyncadd.s32 $0xFFFFA000  }
0x22: {  	s18 =	simm.s32 $0x3F8;
	_ =	swait.ge [sflag:s4], $0x6000  }
0x23: {  	s19 =	simm.s32 $0x5F8;
	s20 =	simm.s32 $0x7F8;
	[sflag:s4] =	ssyncset.done $0x0  }
0x24: {  	s21 =	simm.s32 $0x9F8;
	s22 =	simm.s32 $0x0;
	[sflag:s4] =	ssyncadd.s32 $0xFFFFA000  }
.LBB2_2:
0x25: {  	s23 =	sshll.u32 s22, $0xE  }
0x26: {  	s23 =	sadd.s32 s9, s23  }
0x27: {  	s23 =	sshrl.u32 s23, $0x3  }
0x28: {  	s25 =	simm.s32 $0x10;
	s24 =	sadd.s32 s2, s23  }
0x29: {  	s26 =	sadd.s32 $0xC00, s18;
	s28 =	smov.u32 s18;
	s29 =	sadd.s32 $0x0, s24  }
.LBB2_3:
0x2a: {  	[hbm4b:s29+s3] =	stream.linear.scatter [tilespmem:s28], [sflag:$0x2], $0x80, $0x38;
	[tilespmem:$0x18000] =	vst v63  }
0x2b: {  	s29 =	smov.u32 s25;
	s28 =	smov.u32 s26;
	p0 =	sne.s32 s25, $0x1F0  }
.Ltmp0:
0x2c: {  	s25 =	sadd.s32 $0x10, s25;
	(pc) =	sbr.rel @p0 .LBB2_3-.Ltmp0, $2  }
0x2d: {  	_ =	sdelay $0x2  }
0x2e: {  	s26 =	sadd.s32 $0xC00, s26;
	s29 =	sadd.s32 s29, s24  }
0x2f: {  	[hbm4b:s29+s3] =	stream.linear.scatter [tilespmem:s28], [sflag:$0x2], $0x80, $0x38;
	[tilespmem:$0x18000] =	vst v63  }
0x30: {  	s23 =	sadd.s32 s23, s2  }
0x31: {  	s25 =	simm.s32 $0x10;
	s24 =	sadd.s32 $0x200, s23  }
0x32: {  	s26 =	sadd.s32 $0xC00, s19;
	s28 =	smov.u32 s19;
	s29 =	sadd.s32 $0x0, s24  }
.LBB2_5:
0x33: {  	[hbm4b:s29+s3] =	stream.linear.scatter [tilespmem:s28], [sflag:$0x2], $0x80, $0x38;
	[tilespmem:$0x18000] =	vst v63  }
0x34: {  	s29 =	smov.u32 s25;
	s28 =	smov.u32 s26;
	p0 =	sne.s32 s25, $0x1F0  }
.Ltmp1:
0x35: {  	s25 =	sadd.s32 $0x10, s25;
	(pc) =	sbr.rel @p0 .LBB2_5-.Ltmp1, $2  }
0x36: {  	_ =	sdelay $0x2  }
0x37: {  	s26 =	sadd.s32 $0xC00, s26;
	s29 =	sadd.s32 s29, s24  }
0x38: {  	[hbm4b:s29+s3] =	stream.linear.scatter [tilespmem:s28], [sflag:$0x2], $0x80, $0x38;
	[tilespmem:$0x18000] =	vst v63  }
0x39: {  	s24 =	sadd.s32 $0x400, s23;
	s25 =	simm.s32 $0x10  }
0x3a: {  	s26 =	sadd.s32 $0xC00, s20;
	s28 =	smov.u32 s20;
	s29 =	sadd.s32 $0x0, s24  }
.LBB2_7:
0x3b: {  	[hbm4b:s29+s3] =	stream.linear.scatter [tilespmem:s28], [sflag:$0x2], $0x80, $0x38;
	[tilespmem:$0x18000] =	vst v63  }
0x3c: {  	s29 =	smov.u32 s25;
	s28 =	smov.u32 s26;
	p0 =	sne.s32 s25, $0x1F0  }
.Ltmp2:
0x3d: {  	s25 =	sadd.s32 $0x10, s25;
	(pc) =	sbr.rel @p0 .LBB2_7-.Ltmp2, $2  }
0x3e: {  	_ =	sdelay $0x2  }
0x3f: {  	s26 =	sadd.s32 $0xC00, s26;
	s29 =	sadd.s32 s29, s24  }
0x40: {  	[hbm4b:s29+s3] =	stream.linear.scatter [tilespmem:s28], [sflag:$0x2], $0x80, $0x38;
	[tilespmem:$0x18000] =	vst v63  }
0x41: {  	s23 =	sadd.s32 $0x600, s23;
	s24 =	simm.s32 $0x10  }
0x42: {  	s25 =	sadd.s32 $0xC00, s21;
	s26 =	smov.u32 s21;
	s28 =	sadd.s32 $0x0, s23  }
.LBB2_9:
0x43: {  	[hbm4b:s28+s3] =	stream.linear.scatter [tilespmem:s26], [sflag:$0x2], $0x80, $0x38;
	[tilespmem:$0x18000] =	vst v63  }
0x44: {  	s28 =	smov.u32 s24;
	s26 =	smov.u32 s25;
	p0 =	sne.s32 s24, $0x1F0  }
.Ltmp3:
0x45: {  	s24 =	sadd.s32 $0x10, s24;
	(pc) =	sbr.rel @p0 .LBB2_9-.Ltmp3, $2  }
0x46: {  	_ =	sdelay $0x2  }
0x47: {  	s25 =	sadd.s32 $0xC00, s25;
	s28 =	sadd.s32 s28, s23  }
0x48: {  	s22 =	sadd.s32 $0x1, s22  }
0x49: {  	p0 =	sne.s32 s22, $0x80  }
.Ltmp4:
0x4a: {  	_ = 	snop;
	(pc) =	sbr.rel @p0 .LBB2_2-.Ltmp4, $4  }
0x4b: {  	_ = 	snop  }
0x4c: {  	[hbm4b:s28+s3] =	stream.linear.scatter [tilespmem:s26], [sflag:$0x2], $0x80, $0x38;
	[tilespmem:$0x18000] =	vst v63  }
0x4d: {  	s18 =	sadd.s32 $0xFFFFFFF8, s18  }
0x4e: {  	s19 =	sadd.s32 $0xFFFFFFF8, s19;
	s20 =	sadd.s32 $0xFFFFFFF8, s20;
	s21 =	sadd.s32 $0xFFFFFFF8, s21  }
0x4f: {  	_ =	swait.ge [sflag:s16], $0x1000  }
0x50: {  	s18 =	simm.s32 $0x1FF;
	[sflag:s16] =	ssyncset.done $0x0  }
.LBB2_12:
0x51: {  	p0 =	sne.s32 s18, $0x1;
	s18 =	sadd.s32 $0xFFFFFFFF, s18;
	[sflag:s16] =	ssyncadd.s32 $0xFFFFF000  }
.Ltmp5:
0x52: {  	(pc) =	sbr.rel @p0 .LBB2_12-.Ltmp5, $3  }
0x53: {  	_ =	sdelay $0x1  }
0x54: {  	_ =	swait.ge [sflag:s16], $0x1000  }
0x55: {  	[sflag:s16] =	ssyncset.done $0x0  }
0x56: {  	s17 =	sadd.s32 $0x1, s17  }
0x57: {  	p0 =	sne.s32 s17, s10  }
.Ltmp6:
0x58: {  	_ = 	snop;
	(pc) =	sbr.rel @p0 .LBB2_1-.Ltmp6, $2  }
0x59: {  	_ =	sdelay $0x2  }
0x5a: {  	[sflag:s16] =	ssyncadd.s32 $0xFFFFF000  }
0x5b: {  	_ =	sfence.sel $0x180000  }
0x5c: {  	[bflag:$0x0] =	sbarrier.arrive $0xFFFF  }
0x5d: {  	p0 =	sne.s32 s0, $0x0;
	_ =	strace $0x90000047  }
0x5e: {  	s0 =	sadd.s32 @!p0 $0x100000, s1;
	[bflag:$0x2] =	sbarrier.arrive $0xFFFF  }
0x5f: {  	[sflag:s0] =	ssyncadd.tile.s32 @!p0 $0x1;
	_ =	shalt  }
.Lfunc_end2:
_tile_overlayer_lowered:
.L_overlay_start_2:
0x60: {  	(tag) =	ssettag $0x2  }
0x61: {  	s0 =	rddreg [dreg:$0x0];
	s2 =	stileid.u32  }
0x62: {  	s1 =	rddreg [dreg:$0x1];
	p0 =	sne.s32 s2, $0x0  }
0x63: {  	s3 =	rddreg [dreg:$0x2];
	[bflag:$0x3] =	sbarrier.arrive $0xFFFF;
	s2 =	simm.s32 @!p0 $0x1C03  }
0x64: {  	[timem:s3], [sflag:s2] =	dma.local @!p0 [hbm:s0], s1  }
0x65: {  	s0 =	simm.s32 @!p0 $0x3  }
0x66: {  	_ =	swait.ge @!p0 [sflag:s0], s1  }
0x67: {  	s1 =	ssub.s32 @!p0 $0x0, s1;
	[sflag:s0] =	ssyncset.done @!p0 $0x0  }
0x68: {  	[sflag:s0] =	ssyncadd.s32 @!p0 s1  }
0x69: {  	[bflag:$0x3] =	sbarrier.arrive $0xFFFF  }
0x6a: {  	_ =	shalt  }

</sc_bundles>
